<compile_context>
chip_gen: v7x
topology: tpu7x:2x2x1
jax: 0.10.2.dev20260603
libtpu: 0.0.44.dev20260713+nightly
codegen_flags: <defaults>
</compile_context>

<pallas_src>
import functools
import math

import jax
import jax.numpy as jnp
from jax import lax
from jax.experimental import pallas as pl
from jax.experimental.pallas import tpu as pltpu
from jax.experimental.pallas import tpu_sc as plsc

_N = 4096
_E = 4096
_NUM_SCALARS = 256
_NUM_RADIAL = 32
_CUTOFF = 10.0
_HEAD_DIM = _NUM_SCALARS
_INV_SQRT_HD = 1.0 / math.sqrt(float(_HEAD_DIM))
_KATT = _INV_SQRT_HD / math.sqrt(3.0)

_NCORES = 2
_NSUB = 16
_NW = _NCORES * _NSUB
_EPW = _E // _NW
_NSLICE = _N // _NSUB

_HIGH = lax.Precision.HIGHEST


def _prep_body(vec9_ref, evt_ref, mqk_ref, wep_ref, bep_ref,
               freqs_ref, t_ref, eatt_ref):
    ev = evt_ref[...]
    d = jnp.sqrt(jnp.sum(ev * ev, axis=0, keepdims=True))
    num = jnp.sin(freqs_ref[...] * d)
    den = jnp.maximum(d, 1e-08)
    cut = 0.5 * (jnp.cos(d * (math.pi / _CUTOFF)) + 1.0)
    cut = cut * (d < _CUTOFF).astype(jnp.float32)
    bes = (num / den) * cut
    eatt = lax.dot_general(wep_ref[...], bes,
                           (((1,), (0,)), ((), ())), precision=_HIGH)
    eatt_ref[...] = (eatt + bep_ref[0, 0]) * _INV_SQRT_HD
    t_ref[...] = lax.dot_general(vec9_ref[...], mqk_ref[...],
                                 (((1,), (0,)), ((), ())), precision=_HIGH)


_prep_call = pl.pallas_call(
    _prep_body,
    out_shape=[
        jax.ShapeDtypeStruct((_N, 128), jnp.float32),
        jax.ShapeDtypeStruct((1, _E), jnp.float32),
    ],
)


def _sc_body(t_hbm, ei_hbm, eatt_hbm, u2_hbm,
             idx_r, idx_c, eatt_v, ew_v, rows_a, rows_b, zbuf, u_sh,
             sem_a, sem_b):
    c = lax.axis_index("c")
    s = lax.axis_index("s")
    wid = s * _NCORES + c
    base = wid * _EPW

    z16 = jnp.zeros((16,), jnp.float32)
    for i in range(_NSLICE // 16):
        zbuf[pl.ds(i * 16, 16)] = z16
    pltpu.sync_copy(zbuf, u_sh.at[pl.ds(s * _NSLICE, _NSLICE)])

    pltpu.sync_copy(ei_hbm.at[0, pl.ds(base, _EPW)], idx_r)
    pltpu.sync_copy(ei_hbm.at[1, pl.ds(base, _EPW)], idx_c)
    pltpu.sync_copy(eatt_hbm.at[0, pl.ds(base, _EPW)], eatt_v)
    cp_a = pltpu.async_copy(t_hbm.at[idx_r], rows_a, sem_a)
    cp_b = pltpu.async_copy(t_hbm.at[idx_c], rows_b, sem_b)
    cp_a.wait()
    cp_b.wait()

    plsc.subcore_barrier()

    for k in range(_EPW // 16):
        lidx = lax.iota(jnp.int32, 16) + (k * 16)
        acc = jnp.zeros((16,), jnp.float32)
        for j in range(9):
            a = plsc.load_gather(rows_a, [lidx, jnp.full((16,), j, jnp.int32)])
            b = plsc.load_gather(rows_b, [lidx, jnp.full((16,), j + 16, jnp.int32)])
            acc = acc + a * b
        z = acc * _KATT + eatt_v[pl.ds(k * 16, 16)]
        ew_v[pl.ds(k * 16, 16)] = jnp.exp(z)

    pltpu.sync_copy(ew_v, u_sh.at[idx_c], add=True)

    plsc.subcore_barrier()
    pltpu.sync_copy(u_sh.at[pl.ds(s * _NSLICE, _NSLICE)],
                    u2_hbm.at[c, pl.ds(s * _NSLICE, _NSLICE)])


_sc_call = functools.partial(
    pl.kernel,
    out_type=jax.ShapeDtypeStruct((_NCORES, _N), jnp.float32),
    mesh=plsc.VectorSubcoreMesh(core_axis_name="c", subcore_axis_name="s"),
    compiler_params=pltpu.CompilerParams(needs_layout_passes=False),
    scratch_types=[
        pltpu.VMEM((_EPW,), jnp.int32),
        pltpu.VMEM((_EPW,), jnp.int32),
        pltpu.VMEM((_EPW,), jnp.float32),
        pltpu.VMEM((_EPW,), jnp.float32),
        pltpu.VMEM((_EPW, 128), jnp.float32),
        pltpu.VMEM((_EPW, 128), jnp.float32),
        pltpu.VMEM((_NSLICE,), jnp.float32),
        pltpu.VMEM_SHARED((_N,), jnp.float32),
        pltpu.SemaphoreType.DMA,
        pltpu.SemaphoreType.DMA,
    ],
)(_sc_body)


def _finish_body(u2_ref, scal_ref, vec9_ref, wvs_ref, bvs_ref, wos_ref,
                 bos_ref, m2_ref, bov9_ref, gam_ref, bet_ref,
                 sout_ref, vrow_ref):
    u = u2_ref[0:1, :] + u2_ref[1:2, :]
    s_tot = jnp.sum(u)
    un = u * (1.0 / s_tot)
    r_s = lax.dot_general(un, scal_ref[...],
                          (((1,), (0,)), ((), ())), precision=_HIGH)
    r_v = lax.dot_general(un, vec9_ref[...],
                          (((1,), (0,)), ((), ())), precision=_HIGH)
    sagg = lax.dot_general(r_s, wvs_ref[...],
                           (((1,), (1,)), ((), ())), precision=_HIGH) + bvs_ref[...]
    srow = lax.dot_general(sagg, wos_ref[...],
                           (((1,), (1,)), ((), ())), precision=_HIGH) + bos_ref[...]
    x = scal_ref[...] + srow
    mu = jnp.mean(x, axis=1, keepdims=True)
    xc = x - mu
    var = jnp.mean(xc * xc, axis=1, keepdims=True)
    sout_ref[...] = xc * jax.lax.rsqrt(var + 1e-05) * gam_ref[...] + bet_ref[...]
    vrow_ref[...] = lax.dot_general(r_v, m2_ref[...],
                                    (((1,), (0,)), ((), ())),
                                    precision=_HIGH) + bov9_ref[...]


_finish_call = pl.pallas_call(
    _finish_body,
    out_shape=[
        jax.ShapeDtypeStruct((_N, _NUM_SCALARS), jnp.float32),
        jax.ShapeDtypeStruct((1, 9), jnp.float32),
    ],
)


def kernel(scalars, vectors, edge_index, edge_vec, W_qs, b_qs, W_ks, b_ks,
           W_vs, b_vs, W_qv, W_kv, W_vv, W_os, b_os, W_ov, b_ov, W_ep, b_ep,
           gamma_s, beta_s):
    del W_qs, b_qs, W_ks, b_ks

    vec9 = vectors.reshape(_N, 9)

    eye3 = jnp.eye(3, dtype=jnp.float32)
    pad7 = jnp.zeros((9, 7), dtype=jnp.float32)
    pad103 = jnp.zeros((9, 103), dtype=jnp.float32)
    mqk = jnp.concatenate([jnp.kron(eye3, W_qv.T), pad7,
                           jnp.kron(eye3, W_kv.T), pad103], axis=1)
    m2 = jnp.kron(W_ov.T, W_vv.T)
    bov9 = jnp.repeat(b_ov, 3).reshape(1, 9)
    freqs = (jnp.arange(1, _NUM_RADIAL + 1, dtype=jnp.float32)
             * (math.pi / _CUTOFF)).reshape(_NUM_RADIAL, 1)

    t_tab, eatt = _prep_call(vec9, edge_vec.T, mqk,
                             W_ep.reshape(1, _NUM_RADIAL),
                             b_ep.reshape(1, 1), freqs)

    u2 = _sc_call(t_tab, edge_index, eatt)

    sout, vrow = _finish_call(u2, scalars, vec9,
                              W_vs, b_vs.reshape(1, _NUM_SCALARS),
                              W_os, b_os.reshape(1, _NUM_SCALARS),
                              m2, bov9,
                              gamma_s.reshape(1, _NUM_SCALARS),
                              beta_s.reshape(1, _NUM_SCALARS))
    return (sout, vectors + vrow.reshape(1, 3, 3))

# --- scband reference (transcript-rebuilt; emitter-appended) ---
"""Pipeline reference for scband-se3-transformer-layer-7275674599858 (READ-ONLY COPY).

The authoritative reference and input builder live on the scoring server;
editing this copy changes nothing except your own understanding.
"""

import jax, jax.numpy as jnp
import numpy as np

N = 4096
E = 4096
NUM_SCALARS = 256
NUM_VECTORS = 3
NUM_HEADS = 1
HEAD_DIM = NUM_SCALARS // NUM_HEADS
NUM_RADIAL = 32
CUTOFF = 10.0

def _bessel(d):
    freqs = jnp.arange(1, NUM_RADIAL + 1, dtype=jnp.float32) * np.pi / CUTOFF
    d = d[:, None]
    num = jnp.sin(freqs * d)
    den = jnp.clip(d, 1e-08, None)
    bessel = num / den
    cutoff_val = 0.5 * (jnp.cos(np.pi * d / CUTOFF) + 1.0)
    cutoff_val = cutoff_val * (d < CUTOFF).astype(jnp.float32)
    return bessel * cutoff_val

def setup_inputs(seed: int = 0):
    key = jax.random.key(seed)
    ks = jax.random.split(key, 24)
    s = 0.05
    inp = {}
    inp['scalars'] = jax.random.normal(ks[0], (N, NUM_SCALARS), dtype=jnp.float32)
    inp['vectors'] = jax.random.normal(ks[1], (N, NUM_VECTORS, 3), dtype=jnp.float32)
    inp['edge_index'] = jax.random.randint(ks[2], (2, E), 0, N, dtype=jnp.int32)
    inp['edge_vec'] = jax.random.normal(ks[3], (E, 3), dtype=jnp.float32)
    inp['W_qs'] = jax.random.normal(ks[4], (NUM_SCALARS, NUM_SCALARS), dtype=jnp.float32) * s
    inp['b_qs'] = jax.random.normal(ks[5], (NUM_SCALARS,), dtype=jnp.float32) * s
    inp['W_ks'] = jax.random.normal(ks[6], (NUM_SCALARS, NUM_SCALARS), dtype=jnp.float32) * s
    inp['b_ks'] = jax.random.normal(ks[7], (NUM_SCALARS,), dtype=jnp.float32) * s
    inp['W_vs'] = jax.random.normal(ks[8], (NUM_SCALARS, NUM_SCALARS), dtype=jnp.float32) * s
    inp['b_vs'] = jax.random.normal(ks[9], (NUM_SCALARS,), dtype=jnp.float32) * s
    inp['W_qv'] = jax.random.normal(ks[10], (NUM_VECTORS, NUM_VECTORS), dtype=jnp.float32) * s
    inp['W_kv'] = jax.random.normal(ks[11], (NUM_VECTORS, NUM_VECTORS), dtype=jnp.float32) * s
    inp['W_vv'] = jax.random.normal(ks[12], (NUM_VECTORS, NUM_VECTORS), dtype=jnp.float32) * s
    inp['W_os'] = jax.random.normal(ks[13], (NUM_SCALARS, NUM_SCALARS), dtype=jnp.float32) * s
    inp['b_os'] = jax.random.normal(ks[14], (NUM_SCALARS,), dtype=jnp.float32) * s
    inp['W_ov'] = jax.random.normal(ks[15], (NUM_VECTORS, NUM_VECTORS), dtype=jnp.float32) * s
    inp['b_ov'] = jax.random.normal(ks[16], (NUM_VECTORS,), dtype=jnp.float32) * s
    inp['W_ep'] = jax.random.normal(ks[17], (NUM_HEADS, NUM_RADIAL), dtype=jnp.float32) * s
    inp['b_ep'] = jax.random.normal(ks[18], (NUM_HEADS,), dtype=jnp.float32) * s
    inp['gamma_s'] = jnp.ones((NUM_SCALARS,), dtype=jnp.float32)
    inp['beta_s'] = jnp.zeros((NUM_SCALARS,), dtype=jnp.float32)
    return inp

def reference(scalars, vectors, edge_index, edge_vec, W_qs, b_qs, W_ks, b_ks, W_vs, b_vs, W_qv, W_kv, W_vv, W_os, b_os, W_ov, b_ov, W_ep, b_ep, gamma_s, beta_s):
    n = scalars.shape[0]
    row = edge_index[0]
    col = edge_index[1]
    edge_dist = jnp.linalg.norm(edge_vec, axis=-1)
    q_s = (scalars @ W_qs.T + b_qs).reshape(n, NUM_HEADS, HEAD_DIM)
    k_s = scalars @ W_ks.T + b_ks
    v_s = scalars @ W_vs.T + b_vs
    q_v = vectors @ W_qv.T
    k_v = vectors @ W_kv.T
    v_v = vectors @ W_vv.T
    k_s_j = k_s[col].reshape(-1, NUM_HEADS, HEAD_DIM)
    att_s = jnp.einsum('nhd,mhd->nh', q_s, k_s_j)
    q_v_i = q_v[row]
    k_v_j = k_v[col]
    att_v = jnp.einsum('evi,evi->e', q_v_i, k_v_j) / np.sqrt(3.0)
    edge_att = _bessel(edge_dist) @ W_ep.T + b_ep
    attention = att_s + att_v[:, None] + edge_att.T
    attention = jax.nn.softmax(attention / np.sqrt(HEAD_DIM), axis=-1)
    v_s_j = v_s[col].reshape(-1, NUM_HEADS, HEAD_DIM)
    out_s = jnp.einsum('ne,ehd->nhd', attention, v_s_j).reshape(n, NUM_SCALARS)
    out_s = out_s @ W_os.T + b_os
    v_v_j = v_v[col]
    out_v = jnp.einsum('ne,evi->nvi', attention, v_v_j)
    out_v = jnp.swapaxes(jnp.swapaxes(out_v, 1, 2) @ W_ov.T + b_ov, 1, 2)
    x = scalars + out_s
    mu = jnp.mean(x, axis=-1, keepdims=True)
    var = jnp.var(x, axis=-1, keepdims=True)
    scalars_out = (x - mu) / jnp.sqrt(var + 1e-05) * gamma_s + beta_s
    vectors_out = vectors + out_v
    return (scalars_out, vectors_out)

if __name__ == "__main__":
    import jax
    _d = setup_inputs()
    print(jax.jit(kernel)(*tuple(_d.values())))

</pallas_src>

<mosaic_0001>
#map = affine_map<(d0, d1) -> (0, 0)>
module attributes {stable_mosaic.version = 14 : i64} {
  func.func @_sc_body(%arg0: i32, %arg1: i32, %arg2: memref<4096x128xf32, #tpu.memory_space<hbm>>, %arg3: memref<2x4096xi32, #tpu.memory_space<hbm>>, %arg4: memref<1x4096xf32, #tpu.memory_space<hbm>>, %arg5: memref<2x4096xf32, #tpu.memory_space<hbm>>, %arg6: memref<128xi32, #tpu.memory_space<vmem>>, %arg7: memref<128xi32, #tpu.memory_space<vmem>>, %arg8: memref<128xf32, #tpu.memory_space<vmem>>, %arg9: memref<128xf32, #tpu.memory_space<vmem>>, %arg10: memref<128x128xf32, #tpu.memory_space<vmem>>, %arg11: memref<128x128xf32, #tpu.memory_space<vmem>>, %arg12: memref<256xf32, #tpu.memory_space<vmem>>, %arg13: memref<4096xf32, #tpu.memory_space<vmem_shared>>, %arg14: memref<!tpu.dma_semaphore, #tpu.memory_space<semaphore_mem>>, %arg15: memref<!tpu.dma_semaphore, #tpu.memory_space<semaphore_mem>>) attributes {dimension_semantics = [#tpu.dimension_semantics<core_parallel>, #tpu.dimension_semantics<subcore_parallel>], iteration_bounds = array<i64: 2, 16>, scalar_prefetch = 0 : i64, scratch_operands = 10 : i64, tpu.core_type = #tpu.core_type<sc_vector_subcore>, window_params = [{transform_indices = #map}, {transform_indices = #map}, {transform_indices = #map}, {transform_indices = #map}]} {
    %mul3A = arith.constant 2 : i32
    %mul3A_0 = arith.muli %arg1, %mul3A : i32
    %add3A = arith.addi %mul3A_0, %arg0 : i32
    %mul3A_1 = arith.constant 128 : i32
    %mul3A_2 = arith.muli %add3A, %mul3A_1 : i32
    %broadcast_in_dim3A = arith.constant 0.000000e+00 : f32
    %broadcast_in_dim3A_3 = vector.broadcast %broadcast_in_dim3A : f32 to vector<16xf32>
    %swap3A = arith.constant 0 : index
    %swap3A_4 = tpu.vector_load %arg12[%swap3A] {strides = array<i32>} : memref<256xf32, #tpu.memory_space<vmem>>, vector<16xf32>,
    tpu.vector_store %arg12[%swap3A], %broadcast_in_dim3A_3 {strides = array<i32>} : memref<256xf32, #tpu.memory_space<vmem>>, vector<16xf32>,
    %swap3A_5 = arith.constant 16 : index
    %swap3A_6 = tpu.vector_load %arg12[%swap3A_5] {strides = array<i32>} : memref<256xf32, #tpu.memory_space<vmem>>, vector<16xf32>,
    tpu.vector_store %arg12[%swap3A_5], %broadcast_in_dim3A_3 {strides = array<i32>} : memref<256xf32, #tpu.memory_space<vmem>>, vector<16xf32>,
    %swap3A_7 = arith.constant 32 : index
    %swap3A_8 = tpu.vector_load %arg12[%swap3A_7] {strides = array<i32>} : memref<256xf32, #tpu.memory_space<vmem>>, vector<16xf32>,
    tpu.vector_store %arg12[%swap3A_7], %broadcast_in_dim3A_3 {strides = array<i32>} : memref<256xf32, #tpu.memory_space<vmem>>, vector<16xf32>,
    %swap3A_9 = arith.constant 48 : index
    %swap3A_10 = tpu.vector_load %arg12[%swap3A_9] {strides = array<i32>} : memref<256xf32, #tpu.memory_space<vmem>>, vector<16xf32>,
    tpu.vector_store %arg12[%swap3A_9], %broadcast_in_dim3A_3 {strides = array<i32>} : memref<256xf32, #tpu.memory_space<vmem>>, vector<16xf32>,
    %swap3A_11 = arith.constant 64 : index
    %swap3A_12 = tpu.vector_load %arg12[%swap3A_11] {strides = array<i32>} : memref<256xf32, #tpu.memory_space<vmem>>, vector<16xf32>,
    tpu.vector_store %arg12[%swap3A_11], %broadcast_in_dim3A_3 {strides = array<i32>} : memref<256xf32, #tpu.memory_space<vmem>>, vector<16xf32>,
    %swap3A_13 = arith.constant 80 : index
    %swap3A_14 = tpu.vector_load %arg12[%swap3A_13] {strides = array<i32>} : memref<256xf32, #tpu.memory_space<vmem>>, vector<16xf32>,
    tpu.vector_store %arg12[%swap3A_13], %broadcast_in_dim3A_3 {strides = array<i32>} : memref<256xf32, #tpu.memory_space<vmem>>, vector<16xf32>,
    %swap3A_15 = arith.constant 96 : index
    %swap3A_16 = tpu.vector_load %arg12[%swap3A_15] {strides = array<i32>} : memref<256xf32, #tpu.memory_space<vmem>>, vector<16xf32>,
    tpu.vector_store %arg12[%swap3A_15], %broadcast_in_dim3A_3 {strides = array<i32>} : memref<256xf32, #tpu.memory_space<vmem>>, vector<16xf32>,
    %swap3A_17 = arith.constant 112 : index
    %swap3A_18 = tpu.vector_load %arg12[%swap3A_17] {strides = array<i32>} : memref<256xf32, #tpu.memory_space<vmem>>, vector<16xf32>,
    tpu.vector_store %arg12[%swap3A_17], %broadcast_in_dim3A_3 {strides = array<i32>} : memref<256xf32, #tpu.memory_space<vmem>>, vector<16xf32>,
    %swap3A_19 = arith.constant 128 : index
    %swap3A_20 = tpu.vector_load %arg12[%swap3A_19] {strides = array<i32>} : memref<256xf32, #tpu.memory_space<vmem>>, vector<16xf32>,
    tpu.vector_store %arg12[%swap3A_19], %broadcast_in_dim3A_3 {strides = array<i32>} : memref<256xf32, #tpu.memory_space<vmem>>, vector<16xf32>,
    %swap3A_21 = arith.constant 144 : index
    %swap3A_22 = tpu.vector_load %arg12[%swap3A_21] {strides = array<i32>} : memref<256xf32, #tpu.memory_space<vmem>>, vector<16xf32>,
    tpu.vector_store %arg12[%swap3A_21], %broadcast_in_dim3A_3 {strides = array<i32>} : memref<256xf32, #tpu.memory_space<vmem>>, vector<16xf32>,
    %swap3A_23 = arith.constant 160 : index
    %swap3A_24 = tpu.vector_load %arg12[%swap3A_23] {strides = array<i32>} : memref<256xf32, #tpu.memory_space<vmem>>, vector<16xf32>,
    tpu.vector_store %arg12[%swap3A_23], %broadcast_in_dim3A_3 {strides = array<i32>} : memref<256xf32, #tpu.memory_space<vmem>>, vector<16xf32>,
    %swap3A_25 = arith.constant 176 : index
    %swap3A_26 = tpu.vector_load %arg12[%swap3A_25] {strides = array<i32>} : memref<256xf32, #tpu.memory_space<vmem>>, vector<16xf32>,
    tpu.vector_store %arg12[%swap3A_25], %broadcast_in_dim3A_3 {strides = array<i32>} : memref<256xf32, #tpu.memory_space<vmem>>, vector<16xf32>,
    %swap3A_27 = arith.constant 192 : index
    %swap3A_28 = tpu.vector_load %arg12[%swap3A_27] {strides = array<i32>} : memref<256xf32, #tpu.memory_space<vmem>>, vector<16xf32>,
    tpu.vector_store %arg12[%swap3A_27], %broadcast_in_dim3A_3 {strides = array<i32>} : memref<256xf32, #tpu.memory_space<vmem>>, vector<16xf32>,
    %swap3A_29 = arith.constant 208 : index
    %swap3A_30 = tpu.vector_load %arg12[%swap3A_29] {strides = array<i32>} : memref<256xf32, #tpu.memory_space<vmem>>, vector<16xf32>,
    tpu.vector_store %arg12[%swap3A_29], %broadcast_in_dim3A_3 {strides = array<i32>} : memref<256xf32, #tpu.memory_space<vmem>>, vector<16xf32>,
    %swap3A_31 = arith.constant 224 : index
    %swap3A_32 = tpu.vector_load %arg12[%swap3A_31] {strides = array<i32>} : memref<256xf32, #tpu.memory_space<vmem>>, vector<16xf32>,
    tpu.vector_store %arg12[%swap3A_31], %broadcast_in_dim3A_3 {strides = array<i32>} : memref<256xf32, #tpu.memory_space<vmem>>, vector<16xf32>,
    %swap3A_33 = arith.constant 240 : index
    %swap3A_34 = tpu.vector_load %arg12[%swap3A_33] {strides = array<i32>} : memref<256xf32, #tpu.memory_space<vmem>>, vector<16xf32>,
    tpu.vector_store %arg12[%swap3A_33], %broadcast_in_dim3A_3 {strides = array<i32>} : memref<256xf32, #tpu.memory_space<vmem>>, vector<16xf32>,
    %mul3A_35 = arith.constant 256 : i32
    %mul3A_36 = arith.muli %arg1, %mul3A_35 : i32
    "tpu.region"() ({
      %run_scoped3A_746 = tpu.sem_alloc : memref<!tpu.dma_semaphore, #tpu.memory_space<semaphore_mem>>
      %dma_start3A_747 = tpu.memref_slice %arg13[%mul3A_36] : memref<4096xf32, #tpu.memory_space<vmem_shared>> -> memref<256xf32, #tpu.memory_space<vmem_shared>>
      %dma_start3A_748 = tpu.memref_slice %arg13[%mul3A_36] : memref<4096xf32, #tpu.memory_space<vmem_shared>> -> memref<256xf32, #tpu.memory_space<vmem_shared>>
      tpu.enqueue_dma source(%arg12 : memref<256xf32, #tpu.memory_space<vmem>>) target(%dma_start3A_748 : memref<256xf32, #tpu.memory_space<vmem_shared>>) target_semaphore(%run_scoped3A_746 : memref<!tpu.dma_semaphore, #tpu.memory_space<semaphore_mem>>)
      %dma_wait3A_749 = tpu.memref_slice %arg13[%mul3A_36] : memref<4096xf32, #tpu.memory_space<vmem_shared>> -> memref<256xf32, #tpu.memory_space<vmem_shared>>
      %dma_wait3A_750 = tpu.memref_slice %arg13[%mul3A_36] : memref<4096xf32, #tpu.memory_space<vmem_shared>> -> memref<256xf32, #tpu.memory_space<vmem_shared>>
      tpu.wait_dma2 semaphore(%run_scoped3A_746 : memref<!tpu.dma_semaphore, #tpu.memory_space<semaphore_mem>>) src(%arg12 : memref<256xf32, #tpu.memory_space<vmem>>) dst(%dma_wait3A_750 : memref<256xf32, #tpu.memory_space<vmem_shared>>)
      tpu.yield
    }) : () -> ()
    %run_scoped3A = arith.constant 0 : i32
    "tpu.region"() ({
      %run_scoped3A_746 = tpu.sem_alloc : memref<!tpu.dma_semaphore, #tpu.memory_space<semaphore_mem>>
      %dma_start3A_747 = tpu.memref_slice %arg3[%run_scoped3A, %mul3A_2] : memref<2x4096xi32, #tpu.memory_space<hbm>> -> memref<1x128xi32, #tpu.memory_space<hbm>>
      %dma_start3A_748 = tpu.memref_squeeze %dma_start3A_747 : memref<1x128xi32, #tpu.memory_space<hbm>> -> memref<128xi32, #tpu.memory_space<hbm>>
      %dma_start3A_749 = tpu.memref_slice %arg3[%run_scoped3A, %mul3A_2] : memref<2x4096xi32, #tpu.memory_space<hbm>> -> memref<1x128xi32, #tpu.memory_space<hbm>>
      %dma_start3A_750 = tpu.memref_squeeze %dma_start3A_749 : memref<1x128xi32, #tpu.memory_space<hbm>> -> memref<128xi32, #tpu.memory_space<hbm>>
      tpu.enqueue_dma source(%dma_start3A_750 : memref<128xi32, #tpu.memory_space<hbm>>) target(%arg6 : memref<128xi32, #tpu.memory_space<vmem>>) target_semaphore(%run_scoped3A_746 : memref<!tpu.dma_semaphore, #tpu.memory_space<semaphore_mem>>)
      %dma_wait3A_751 = tpu.memref_slice %arg3[%run_scoped3A, %mul3A_2] : memref<2x4096xi32, #tpu.memory_space<hbm>> -> memref<1x128xi32, #tpu.memory_space<hbm>>
      %dma_wait3A_752 = tpu.memref_squeeze %dma_wait3A_751 : memref<1x128xi32, #tpu.memory_space<hbm>> -> memref<128xi32, #tpu.memory_space<hbm>>
      %dma_wait3A_753 = tpu.memref_slice %arg3[%run_scoped3A, %mul3A_2] : memref<2x4096xi32, #tpu.memory_space<hbm>> -> memref<1x128xi32, #tpu.memory_space<hbm>>
      %dma_wait3A_754 = tpu.memref_squeeze %dma_wait3A_753 : memref<1x128xi32, #tpu.memory_space<hbm>> -> memref<128xi32, #tpu.memory_space<hbm>>
      tpu.wait_dma2 semaphore(%run_scoped3A_746 : memref<!tpu.dma_semaphore, #tpu.memory_space<semaphore_mem>>) src(%dma_wait3A_754 : memref<128xi32, #tpu.memory_space<hbm>>) dst(%arg6 : memref<128xi32, #tpu.memory_space<vmem>>)
      tpu.yield
    }) : () -> ()
    %run_scoped3A_37 = arith.constant 1 : i32
    "tpu.region"() ({
      %run_scoped3A_746 = tpu.sem_alloc : memref<!tpu.dma_semaphore, #tpu.memory_space<semaphore_mem>>
      %dma_start3A_747 = tpu.memref_slice %arg3[%run_scoped3A_37, %mul3A_2] : memref<2x4096xi32, #tpu.memory_space<hbm>> -> memref<1x128xi32, #tpu.memory_space<hbm>>
      %dma_start3A_748 = tpu.memref_squeeze %dma_start3A_747 : memref<1x128xi32, #tpu.memory_space<hbm>> -> memref<128xi32, #tpu.memory_space<hbm>>
      %dma_start3A_749 = tpu.memref_slice %arg3[%run_scoped3A_37, %mul3A_2] : memref<2x4096xi32, #tpu.memory_space<hbm>> -> memref<1x128xi32, #tpu.memory_space<hbm>>
      %dma_start3A_750 = tpu.memref_squeeze %dma_start3A_749 : memref<1x128xi32, #tpu.memory_space<hbm>> -> memref<128xi32, #tpu.memory_space<hbm>>
      tpu.enqueue_dma source(%dma_start3A_750 : memref<128xi32, #tpu.memory_space<hbm>>) target(%arg7 : memref<128xi32, #tpu.memory_space<vmem>>) target_semaphore(%run_scoped3A_746 : memref<!tpu.dma_semaphore, #tpu.memory_space<semaphore_mem>>)
      %dma_wait3A_751 = tpu.memref_slice %arg3[%run_scoped3A_37, %mul3A_2] : memref<2x4096xi32, #tpu.memory_space<hbm>> -> memref<1x128xi32, #tpu.memory_space<hbm>>
      %dma_wait3A_752 = tpu.memref_squeeze %dma_wait3A_751 : memref<1x128xi32, #tpu.memory_space<hbm>> -> memref<128xi32, #tpu.memory_space<hbm>>
      %dma_wait3A_753 = tpu.memref_slice %arg3[%run_scoped3A_37, %mul3A_2] : memref<2x4096xi32, #tpu.memory_space<hbm>> -> memref<1x128xi32, #tpu.memory_space<hbm>>
      %dma_wait3A_754 = tpu.memref_squeeze %dma_wait3A_753 : memref<1x128xi32, #tpu.memory_space<hbm>> -> memref<128xi32, #tpu.memory_space<hbm>>
      tpu.wait_dma2 semaphore(%run_scoped3A_746 : memref<!tpu.dma_semaphore, #tpu.memory_space<semaphore_mem>>) src(%dma_wait3A_754 : memref<128xi32, #tpu.memory_space<hbm>>) dst(%arg7 : memref<128xi32, #tpu.memory_space<vmem>>)
      tpu.yield
    }) : () -> ()
    %run_scoped3A_38 = arith.constant 0 : i32
    "tpu.region"() ({
      %run_scoped3A_746 = tpu.sem_alloc : memref<!tpu.dma_semaphore, #tpu.memory_space<semaphore_mem>>
      %dma_start3A_747 = tpu.memref_slice %arg4[%run_scoped3A_38, %mul3A_2] : memref<1x4096xf32, #tpu.memory_space<hbm>> -> memref<1x128xf32, #tpu.memory_space<hbm>>
      %dma_start3A_748 = tpu.memref_squeeze %dma_start3A_747 : memref<1x128xf32, #tpu.memory_space<hbm>> -> memref<128xf32, #tpu.memory_space<hbm>>
      %dma_start3A_749 = tpu.memref_slice %arg4[%run_scoped3A_38, %mul3A_2] : memref<1x4096xf32, #tpu.memory_space<hbm>> -> memref<1x128xf32, #tpu.memory_space<hbm>>
      %dma_start3A_750 = tpu.memref_squeeze %dma_start3A_749 : memref<1x128xf32, #tpu.memory_space<hbm>> -> memref<128xf32, #tpu.memory_space<hbm>>
      tpu.enqueue_dma source(%dma_start3A_750 : memref<128xf32, #tpu.memory_space<hbm>>) target(%arg8 : memref<128xf32, #tpu.memory_space<vmem>>) target_semaphore(%run_scoped3A_746 : memref<!tpu.dma_semaphore, #tpu.memory_space<semaphore_mem>>)
      %dma_wait3A_751 = tpu.memref_slice %arg4[%run_scoped3A_38, %mul3A_2] : memref<1x4096xf32, #tpu.memory_space<hbm>> -> memref<1x128xf32, #tpu.memory_space<hbm>>
      %dma_wait3A_752 = tpu.memref_squeeze %dma_wait3A_751 : memref<1x128xf32, #tpu.memory_space<hbm>> -> memref<128xf32, #tpu.memory_space<hbm>>
      %dma_wait3A_753 = tpu.memref_slice %arg4[%run_scoped3A_38, %mul3A_2] : memref<1x4096xf32, #tpu.memory_space<hbm>> -> memref<1x128xf32, #tpu.memory_space<hbm>>
      %dma_wait3A_754 = tpu.memref_squeeze %dma_wait3A_753 : memref<1x128xf32, #tpu.memory_space<hbm>> -> memref<128xf32, #tpu.memory_space<hbm>>
      tpu.wait_dma2 semaphore(%run_scoped3A_746 : memref<!tpu.dma_semaphore, #tpu.memory_space<semaphore_mem>>) src(%dma_wait3A_754 : memref<128xf32, #tpu.memory_space<hbm>>) dst(%arg8 : memref<128xf32, #tpu.memory_space<vmem>>)
      tpu.yield
    }) : () -> ()
    %dma_start3A = arith.constant 0 : i32
    %dma_start3A_39 = arith.constant 0 : i32
    %dma_start3A_40 = tpu.memref_slice %arg2[%dma_start3A, %dma_start3A_39] : memref<4096x128xf32, #tpu.memory_space<hbm>> -> memref<4096x128xf32, #tpu.memory_space<hbm>>
    tpu.enqueue_indirect_dma source(%dma_start3A_40 : memref<4096x128xf32, #tpu.memory_space<hbm>>) target(%arg10 : memref<128x128xf32, #tpu.memory_space<vmem>>) offsets(%arg6 : memref<128xi32, #tpu.memory_space<vmem>>) semaphore(%arg14 : memref<!tpu.dma_semaphore, #tpu.memory_space<semaphore_mem>>)
    %dma_start3A_41 = arith.constant 0 : i32
    %dma_start3A_42 = arith.constant 0 : i32
    %dma_start3A_43 = tpu.memref_slice %arg2[%dma_start3A_41, %dma_start3A_42] : memref<4096x128xf32, #tpu.memory_space<hbm>> -> memref<4096x128xf32, #tpu.memory_space<hbm>>
    tpu.enqueue_indirect_dma source(%dma_start3A_43 : memref<4096x128xf32, #tpu.memory_space<hbm>>) target(%arg11 : memref<128x128xf32, #tpu.memory_space<vmem>>) offsets(%arg7 : memref<128xi32, #tpu.memory_space<vmem>>) semaphore(%arg15 : memref<!tpu.dma_semaphore, #tpu.memory_space<semaphore_mem>>)
    %dma_wait3A = arith.constant 0 : i32
    %dma_wait3A_44 = arith.constant 0 : i32
    %dma_wait3A_45 = tpu.memref_slice %arg2[%dma_wait3A, %dma_wait3A_44] : memref<4096x128xf32, #tpu.memory_space<hbm>> -> memref<4096x128xf32, #tpu.memory_space<hbm>>
    tpu.wait_indirect_dma semaphore(%arg14 : memref<!tpu.dma_semaphore, #tpu.memory_space<semaphore_mem>>) src(%dma_wait3A_45 : memref<4096x128xf32, #tpu.memory_space<hbm>>) dst(%arg10 : memref<128x128xf32, #tpu.memory_space<vmem>>)
    %dma_wait3A_46 = arith.constant 0 : i32
    %dma_wait3A_47 = arith.constant 0 : i32
    %dma_wait3A_48 = tpu.memref_slice %arg2[%dma_wait3A_46, %dma_wait3A_47] : memref<4096x128xf32, #tpu.memory_space<hbm>> -> memref<4096x128xf32, #tpu.memory_space<hbm>>
    tpu.wait_indirect_dma semaphore(%arg15 : memref<!tpu.dma_semaphore, #tpu.memory_space<semaphore_mem>>) src(%dma_wait3A_48 : memref<4096x128xf32, #tpu.memory_space<hbm>>) dst(%arg11 : memref<128x128xf32, #tpu.memory_space<vmem>>)
    %barrier3A = arith.constant 0 : index
    tpu.barrier barrier_id(%barrier3A)
    %iota3A = tpu.iota {dimensions = array<i32: 0>} : vector<16xi32>
    %add3A_49 = arith.constant 0 : i32
    %add3A_50 = vector.broadcast %add3A_49 : i32 to vector<16xi32>
    %add3A_51 = arith.addi %iota3A, %add3A_50 : vector<16xi32>
    %broadcast_in_dim3A_52 = arith.constant 0.000000e+00 : f32
    %broadcast_in_dim3A_53 = vector.broadcast %broadcast_in_dim3A_52 : f32 to vector<16xf32>
    %broadcast_in_dim3A_54 = arith.constant 0 : i32
    %broadcast_in_dim3A_55 = vector.broadcast %broadcast_in_dim3A_54 : i32 to vector<16xi32>
    %gather3A = tpu.vector_load_idx %arg10[%add3A_51, %broadcast_in_dim3A_55] : memref<128x128xf32, #tpu.memory_space<vmem>>[vector<16xi32>, vector<16xi32>], vector<16xf32>,
    %broadcast_in_dim3A_56 = arith.constant 16 : i32
    %broadcast_in_dim3A_57 = vector.broadcast %broadcast_in_dim3A_56 : i32 to vector<16xi32>
    %gather3A_58 = tpu.vector_load_idx %arg11[%add3A_51, %broadcast_in_dim3A_57] : memref<128x128xf32, #tpu.memory_space<vmem>>[vector<16xi32>, vector<16xi32>], vector<16xf32>,
    %mul3A_59 = arith.mulf %gather3A, %gather3A_58 : vector<16xf32>
    %add3A_60 = arith.addf %broadcast_in_dim3A_53, %mul3A_59 : vector<16xf32>
    %broadcast_in_dim3A_61 = arith.constant 1 : i32
    %broadcast_in_dim3A_62 = vector.broadcast %broadcast_in_dim3A_61 : i32 to vector<16xi32>
    %gather3A_63 = tpu.vector_load_idx %arg10[%add3A_51, %broadcast_in_dim3A_62] : memref<128x128xf32, #tpu.memory_space<vmem>>[vector<16xi32>, vector<16xi32>], vector<16xf32>,
    %broadcast_in_dim3A_64 = arith.constant 17 : i32
    %broadcast_in_dim3A_65 = vector.broadcast %broadcast_in_dim3A_64 : i32 to vector<16xi32>
    %gather3A_66 = tpu.vector_load_idx %arg11[%add3A_51, %broadcast_in_dim3A_65] : memref<128x128xf32, #tpu.memory_space<vmem>>[vector<16xi32>, vector<16xi32>], vector<16xf32>,
    %mul3A_67 = arith.mulf %gather3A_63, %gather3A_66 : vector<16xf32>
    %add3A_68 = arith.addf %add3A_60, %mul3A_67 : vector<16xf32>
    %broadcast_in_dim3A_69 = arith.constant 2 : i32
    %broadcast_in_dim3A_70 = vector.broadcast %broadcast_in_dim3A_69 : i32 to vector<16xi32>
    %gather3A_71 = tpu.vector_load_idx %arg10[%add3A_51, %broadcast_in_dim3A_70] : memref<128x128xf32, #tpu.memory_space<vmem>>[vector<16xi32>, vector<16xi32>], vector<16xf32>,
    %broadcast_in_dim3A_72 = arith.constant 18 : i32
    %broadcast_in_dim3A_73 = vector.broadcast %broadcast_in_dim3A_72 : i32 to vector<16xi32>
    %gather3A_74 = tpu.vector_load_idx %arg11[%add3A_51, %broadcast_in_dim3A_73] : memref<128x128xf32, #tpu.memory_space<vmem>>[vector<16xi32>, vector<16xi32>], vector<16xf32>,
    %mul3A_75 = arith.mulf %gather3A_71, %gather3A_74 : vector<16xf32>
    %add3A_76 = arith.addf %add3A_68, %mul3A_75 : vector<16xf32>
    %broadcast_in_dim3A_77 = arith.constant 3 : i32
    %broadcast_in_dim3A_78 = vector.broadcast %broadcast_in_dim3A_77 : i32 to vector<16xi32>
    %gather3A_79 = tpu.vector_load_idx %arg10[%add3A_51, %broadcast_in_dim3A_78] : memref<128x128xf32, #tpu.memory_space<vmem>>[vector<16xi32>, vector<16xi32>], vector<16xf32>,
    %broadcast_in_dim3A_80 = arith.constant 19 : i32
    %broadcast_in_dim3A_81 = vector.broadcast %broadcast_in_dim3A_80 : i32 to vector<16xi32>
    %gather3A_82 = tpu.vector_load_idx %arg11[%add3A_51, %broadcast_in_dim3A_81] : memref<128x128xf32, #tpu.memory_space<vmem>>[vector<16xi32>, vector<16xi32>], vector<16xf32>,
    %mul3A_83 = arith.mulf %gather3A_79, %gather3A_82 : vector<16xf32>
    %add3A_84 = arith.addf %add3A_76, %mul3A_83 : vector<16xf32>
    %broadcast_in_dim3A_85 = arith.constant 4 : i32
    %broadcast_in_dim3A_86 = vector.broadcast %broadcast_in_dim3A_85 : i32 to vector<16xi32>
    %gather3A_87 = tpu.vector_load_idx %arg10[%add3A_51, %broadcast_in_dim3A_86] : memref<128x128xf32, #tpu.memory_space<vmem>>[vector<16xi32>, vector<16xi32>], vector<16xf32>,
    %broadcast_in_dim3A_88 = arith.constant 20 : i32
    %broadcast_in_dim3A_89 = vector.broadcast %broadcast_in_dim3A_88 : i32 to vector<16xi32>
    %gather3A_90 = tpu.vector_load_idx %arg11[%add3A_51, %broadcast_in_dim3A_89] : memref<128x128xf32, #tpu.memory_space<vmem>>[vector<16xi32>, vector<16xi32>], vector<16xf32>,
    %mul3A_91 = arith.mulf %gather3A_87, %gather3A_90 : vector<16xf32>
    %add3A_92 = arith.addf %add3A_84, %mul3A_91 : vector<16xf32>
    %broadcast_in_dim3A_93 = arith.constant 5 : i32
    %broadcast_in_dim3A_94 = vector.broadcast %broadcast_in_dim3A_93 : i32 to vector<16xi32>
    %gather3A_95 = tpu.vector_load_idx %arg10[%add3A_51, %broadcast_in_dim3A_94] : memref<128x128xf32, #tpu.memory_space<vmem>>[vector<16xi32>, vector<16xi32>], vector<16xf32>,
    %broadcast_in_dim3A_96 = arith.constant 21 : i32
    %broadcast_in_dim3A_97 = vector.broadcast %broadcast_in_dim3A_96 : i32 to vector<16xi32>
    %gather3A_98 = tpu.vector_load_idx %arg11[%add3A_51, %broadcast_in_dim3A_97] : memref<128x128xf32, #tpu.memory_space<vmem>>[vector<16xi32>, vector<16xi32>], vector<16xf32>,
    %mul3A_99 = arith.mulf %gather3A_95, %gather3A_98 : vector<16xf32>
    %add3A_100 = arith.addf %add3A_92, %mul3A_99 : vector<16xf32>
    %broadcast_in_dim3A_101 = arith.constant 6 : i32
    %broadcast_in_dim3A_102 = vector.broadcast %broadcast_in_dim3A_101 : i32 to vector<16xi32>
    %gather3A_103 = tpu.vector_load_idx %arg10[%add3A_51, %broadcast_in_dim3A_102] : memref<128x128xf32, #tpu.memory_space<vmem>>[vector<16xi32>, vector<16xi32>], vector<16xf32>,
    %broadcast_in_dim3A_104 = arith.constant 22 : i32
    %broadcast_in_dim3A_105 = vector.broadcast %broadcast_in_dim3A_104 : i32 to vector<16xi32>
    %gather3A_106 = tpu.vector_load_idx %arg11[%add3A_51, %broadcast_in_dim3A_105] : memref<128x128xf32, #tpu.memory_space<vmem>>[vector<16xi32>, vector<16xi32>], vector<16xf32>,
    %mul3A_107 = arith.mulf %gather3A_103, %gather3A_106 : vector<16xf32>
    %add3A_108 = arith.addf %add3A_100, %mul3A_107 : vector<16xf32>
    %broadcast_in_dim3A_109 = arith.constant 7 : i32
    %broadcast_in_dim3A_110 = vector.broadcast %broadcast_in_dim3A_109 : i32 to vector<16xi32>
    %gather3A_111 = tpu.vector_load_idx %arg10[%add3A_51, %broadcast_in_dim3A_110] : memref<128x128xf32, #tpu.memory_space<vmem>>[vector<16xi32>, vector<16xi32>], vector<16xf32>,
    %broadcast_in_dim3A_112 = arith.constant 23 : i32
    %broadcast_in_dim3A_113 = vector.broadcast %broadcast_in_dim3A_112 : i32 to vector<16xi32>
    %gather3A_114 = tpu.vector_load_idx %arg11[%add3A_51, %broadcast_in_dim3A_113] : memref<128x128xf32, #tpu.memory_space<vmem>>[vector<16xi32>, vector<16xi32>], vector<16xf32>,
    %mul3A_115 = arith.mulf %gather3A_111, %gather3A_114 : vector<16xf32>
    %add3A_116 = arith.addf %add3A_108, %mul3A_115 : vector<16xf32>
    %broadcast_in_dim3A_117 = arith.constant 8 : i32
    %broadcast_in_dim3A_118 = vector.broadcast %broadcast_in_dim3A_117 : i32 to vector<16xi32>
    %gather3A_119 = tpu.vector_load_idx %arg10[%add3A_51, %broadcast_in_dim3A_118] : memref<128x128xf32, #tpu.memory_space<vmem>>[vector<16xi32>, vector<16xi32>], vector<16xf32>,
    %broadcast_in_dim3A_120 = arith.constant 24 : i32
    %broadcast_in_dim3A_121 = vector.broadcast %broadcast_in_dim3A_120 : i32 to vector<16xi32>
    %gather3A_122 = tpu.vector_load_idx %arg11[%add3A_51, %broadcast_in_dim3A_121] : memref<128x128xf32, #tpu.memory_space<vmem>>[vector<16xi32>, vector<16xi32>], vector<16xf32>,
    %mul3A_123 = arith.mulf %gather3A_119, %gather3A_122 : vector<16xf32>
    %add3A_124 = arith.addf %add3A_116, %mul3A_123 : vector<16xf32>
    %mul3A_125 = arith.constant 0.0360843912 : f32
    %mul3A_126 = vector.broadcast %mul3A_125 : f32 to vector<16xf32>
    %mul3A_127 = arith.mulf %add3A_124, %mul3A_126 : vector<16xf32>
    %get3A = arith.constant 0 : index
    %get3A_128 = tpu.vector_load %arg8[%get3A] {strides = array<i32>} : memref<128xf32, #tpu.memory_space<vmem>>, vector<16xf32>,
    %add3A_129 = arith.addf %mul3A_127, %get3A_128 : vector<16xf32>
    %exp3A = math.exp %add3A_129 : vector<16xf32>
    %swap3A_130 = arith.constant 0 : index
    %swap3A_131 = tpu.vector_load %arg9[%swap3A_130] {strides = array<i32>} : memref<128xf32, #tpu.memory_space<vmem>>, vector<16xf32>,
    tpu.vector_store %arg9[%swap3A_130], %exp3A {strides = array<i32>} : memref<128xf32, #tpu.memory_space<vmem>>, vector<16xf32>,
    %iota3A_132 = tpu.iota {dimensions = array<i32: 0>} : vector<16xi32>
    %add3A_133 = arith.constant 16 : i32
    %add3A_134 = vector.broadcast %add3A_133 : i32 to vector<16xi32>
    %add3A_135 = arith.addi %iota3A_132, %add3A_134 : vector<16xi32>
    %broadcast_in_dim3A_136 = arith.constant 0.000000e+00 : f32
    %broadcast_in_dim3A_137 = vector.broadcast %broadcast_in_dim3A_136 : f32 to vector<16xf32>
    %broadcast_in_dim3A_138 = arith.constant 0 : i32
    %broadcast_in_dim3A_139 = vector.broadcast %broadcast_in_dim3A_138 : i32 to vector<16xi32>
    %gather3A_140 = tpu.vector_load_idx %arg10[%add3A_135, %broadcast_in_dim3A_139] : memref<128x128xf32, #tpu.memory_space<vmem>>[vector<16xi32>, vector<16xi32>], vector<16xf32>,
    %broadcast_in_dim3A_141 = arith.constant 16 : i32
    %broadcast_in_dim3A_142 = vector.broadcast %broadcast_in_dim3A_141 : i32 to vector<16xi32>
    %gather3A_143 = tpu.vector_load_idx %arg11[%add3A_135, %broadcast_in_dim3A_142] : memref<128x128xf32, #tpu.memory_space<vmem>>[vector<16xi32>, vector<16xi32>], vector<16xf32>,
    %mul3A_144 = arith.mulf %gather3A_140, %gather3A_143 : vector<16xf32>
    %add3A_145 = arith.addf %broadcast_in_dim3A_137, %mul3A_144 : vector<16xf32>
    %broadcast_in_dim3A_146 = arith.constant 1 : i32
    %broadcast_in_dim3A_147 = vector.broadcast %broadcast_in_dim3A_146 : i32 to vector<16xi32>
    %gather3A_148 = tpu.vector_load_idx %arg10[%add3A_135, %broadcast_in_dim3A_147] : memref<128x128xf32, #tpu.memory_space<vmem>>[vector<16xi32>, vector<16xi32>], vector<16xf32>,
    %broadcast_in_dim3A_149 = arith.constant 17 : i32
    %broadcast_in_dim3A_150 = vector.broadcast %broadcast_in_dim3A_149 : i32 to vector<16xi32>
    %gather3A_151 = tpu.vector_load_idx %arg11[%add3A_135, %broadcast_in_dim3A_150] : memref<128x128xf32, #tpu.memory_space<vmem>>[vector<16xi32>, vector<16xi32>], vector<16xf32>,
    %mul3A_152 = arith.mulf %gather3A_148, %gather3A_151 : vector<16xf32>
    %add3A_153 = arith.addf %add3A_145, %mul3A_152 : vector<16xf32>
    %broadcast_in_dim3A_154 = arith.constant 2 : i32
    %broadcast_in_dim3A_155 = vector.broadcast %broadcast_in_dim3A_154 : i32 to vector<16xi32>
    %gather3A_156 = tpu.vector_load_idx %arg10[%add3A_135, %broadcast_in_dim3A_155] : memref<128x128xf32, #tpu.memory_space<vmem>>[vector<16xi32>, vector<16xi32>], vector<16xf32>,
    %broadcast_in_dim3A_157 = arith.constant 18 : i32
    %broadcast_in_dim3A_158 = vector.broadcast %broadcast_in_dim3A_157 : i32 to vector<16xi32>
    %gather3A_159 = tpu.vector_load_idx %arg11[%add3A_135, %broadcast_in_dim3A_158] : memref<128x128xf32, #tpu.memory_space<vmem>>[vector<16xi32>, vector<16xi32>], vector<16xf32>,
    %mul3A_160 = arith.mulf %gather3A_156, %gather3A_159 : vector<16xf32>
    %add3A_161 = arith.addf %add3A_153, %mul3A_160 : vector<16xf32>
    %broadcast_in_dim3A_162 = arith.constant 3 : i32
    %broadcast_in_dim3A_163 = vector.broadcast %broadcast_in_dim3A_162 : i32 to vector<16xi32>
    %gather3A_164 = tpu.vector_load_idx %arg10[%add3A_135, %broadcast_in_dim3A_163] : memref<128x128xf32, #tpu.memory_space<vmem>>[vector<16xi32>, vector<16xi32>], vector<16xf32>,
    %broadcast_in_dim3A_165 = arith.constant 19 : i32
    %broadcast_in_dim3A_166 = vector.broadcast %broadcast_in_dim3A_165 : i32 to vector<16xi32>
    %gather3A_167 = tpu.vector_load_idx %arg11[%add3A_135, %broadcast_in_dim3A_166] : memref<128x128xf32, #tpu.memory_space<vmem>>[vector<16xi32>, vector<16xi32>], vector<16xf32>,
    %mul3A_168 = arith.mulf %gather3A_164, %gather3A_167 : vector<16xf32>
    %add3A_169 = arith.addf %add3A_161, %mul3A_168 : vector<16xf32>
    %broadcast_in_dim3A_170 = arith.constant 4 : i32
    %broadcast_in_dim3A_171 = vector.broadcast %broadcast_in_dim3A_170 : i32 to vector<16xi32>
    %gather3A_172 = tpu.vector_load_idx %arg10[%add3A_135, %broadcast_in_dim3A_171] : memref<128x128xf32, #tpu.memory_space<vmem>>[vector<16xi32>, vector<16xi32>], vector<16xf32>,
    %broadcast_in_dim3A_173 = arith.constant 20 : i32
    %broadcast_in_dim3A_174 = vector.broadcast %broadcast_in_dim3A_173 : i32 to vector<16xi32>
    %gather3A_175 = tpu.vector_load_idx %arg11[%add3A_135, %broadcast_in_dim3A_174] : memref<128x128xf32, #tpu.memory_space<vmem>>[vector<16xi32>, vector<16xi32>], vector<16xf32>,
    %mul3A_176 = arith.mulf %gather3A_172, %gather3A_175 : vector<16xf32>
    %add3A_177 = arith.addf %add3A_169, %mul3A_176 : vector<16xf32>
    %broadcast_in_dim3A_178 = arith.constant 5 : i32
    %broadcast_in_dim3A_179 = vector.broadcast %broadcast_in_dim3A_178 : i32 to vector<16xi32>
    %gather3A_180 = tpu.vector_load_idx %arg10[%add3A_135, %broadcast_in_dim3A_179] : memref<128x128xf32, #tpu.memory_space<vmem>>[vector<16xi32>, vector<16xi32>], vector<16xf32>,
    %broadcast_in_dim3A_181 = arith.constant 21 : i32
    %broadcast_in_dim3A_182 = vector.broadcast %broadcast_in_dim3A_181 : i32 to vector<16xi32>
    %gather3A_183 = tpu.vector_load_idx %arg11[%add3A_135, %broadcast_in_dim3A_182] : memref<128x128xf32, #tpu.memory_space<vmem>>[vector<16xi32>, vector<16xi32>], vector<16xf32>,
    %mul3A_184 = arith.mulf %gather3A_180, %gather3A_183 : vector<16xf32>
    %add3A_185 = arith.addf %add3A_177, %mul3A_184 : vector<16xf32>
    %broadcast_in_dim3A_186 = arith.constant 6 : i32
    %broadcast_in_dim3A_187 = vector.broadcast %broadcast_in_dim3A_186 : i32 to vector<16xi32>
    %gather3A_188 = tpu.vector_load_idx %arg10[%add3A_135, %broadcast_in_dim3A_187] : memref<128x128xf32, #tpu.memory_space<vmem>>[vector<16xi32>, vector<16xi32>], vector<16xf32>,
    %broadcast_in_dim3A_189 = arith.constant 22 : i32
    %broadcast_in_dim3A_190 = vector.broadcast %broadcast_in_dim3A_189 : i32 to vector<16xi32>
    %gather3A_191 = tpu.vector_load_idx %arg11[%add3A_135, %broadcast_in_dim3A_190] : memref<128x128xf32, #tpu.memory_space<vmem>>[vector<16xi32>, vector<16xi32>], vector<16xf32>,
    %mul3A_192 = arith.mulf %gather3A_188, %gather3A_191 : vector<16xf32>
    %add3A_193 = arith.addf %add3A_185, %mul3A_192 : vector<16xf32>
    %broadcast_in_dim3A_194 = arith.constant 7 : i32
    %broadcast_in_dim3A_195 = vector.broadcast %broadcast_in_dim3A_194 : i32 to vector<16xi32>
    %gather3A_196 = tpu.vector_load_idx %arg10[%add3A_135, %broadcast_in_dim3A_195] : memref<128x128xf32, #tpu.memory_space<vmem>>[vector<16xi32>, vector<16xi32>], vector<16xf32>,
    %broadcast_in_dim3A_197 = arith.constant 23 : i32
    %broadcast_in_dim3A_198 = vector.broadcast %broadcast_in_dim3A_197 : i32 to vector<16xi32>
    %gather3A_199 = tpu.vector_load_idx %arg11[%add3A_135, %broadcast_in_dim3A_198] : memref<128x128xf32, #tpu.memory_space<vmem>>[vector<16xi32>, vector<16xi32>], vector<16xf32>,
    %mul3A_200 = arith.mulf %gather3A_196, %gather3A_199 : vector<16xf32>
    %add3A_201 = arith.addf %add3A_193, %mul3A_200 : vector<16xf32>
    %broadcast_in_dim3A_202 = arith.constant 8 : i32
    %broadcast_in_dim3A_203 = vector.broadcast %broadcast_in_dim3A_202 : i32 to vector<16xi32>
    %gather3A_204 = tpu.vector_load_idx %arg10[%add3A_135, %broadcast_in_dim3A_203] : memref<128x128xf32, #tpu.memory_space<vmem>>[vector<16xi32>, vector<16xi32>], vector<16xf32>,
    %broadcast_in_dim3A_205 = arith.constant 24 : i32
    %broadcast_in_dim3A_206 = vector.broadcast %broadcast_in_dim3A_205 : i32 to vector<16xi32>
    %gather3A_207 = tpu.vector_load_idx %arg11[%add3A_135, %broadcast_in_dim3A_206] : memref<128x128xf32, #tpu.memory_space<vmem>>[vector<16xi32>, vector<16xi32>], vector<16xf32>,
    %mul3A_208 = arith.mulf %gather3A_204, %gather3A_207 : vector<16xf32>
    %add3A_209 = arith.addf %add3A_201, %mul3A_208 : vector<16xf32>
    %mul3A_210 = arith.constant 0.0360843912 : f32
    %mul3A_211 = vector.broadcast %mul3A_210 : f32 to vector<16xf32>
    %mul3A_212 = arith.mulf %add3A_209, %mul3A_211 : vector<16xf32>
    %get3A_213 = arith.constant 16 : index
    %get3A_214 = tpu.vector_load %arg8[%get3A_213] {strides = array<i32>} : memref<128xf32, #tpu.memory_space<vmem>>, vector<16xf32>,
    %add3A_215 = arith.addf %mul3A_212, %get3A_214 : vector<16xf32>
    %exp3A_216 = math.exp %add3A_215 : vector<16xf32>
    %swap3A_217 = arith.constant 16 : index
    %swap3A_218 = tpu.vector_load %arg9[%swap3A_217] {strides = array<i32>} : memref<128xf32, #tpu.memory_space<vmem>>, vector<16xf32>,
    tpu.vector_store %arg9[%swap3A_217], %exp3A_216 {strides = array<i32>} : memref<128xf32, #tpu.memory_space<vmem>>, vector<16xf32>,
    %iota3A_219 = tpu.iota {dimensions = array<i32: 0>} : vector<16xi32>
    %add3A_220 = arith.constant 32 : i32
    %add3A_221 = vector.broadcast %add3A_220 : i32 to vector<16xi32>
    %add3A_222 = arith.addi %iota3A_219, %add3A_221 : vector<16xi32>
    %broadcast_in_dim3A_223 = arith.constant 0.000000e+00 : f32
    %broadcast_in_dim3A_224 = vector.broadcast %broadcast_in_dim3A_223 : f32 to vector<16xf32>
    %broadcast_in_dim3A_225 = arith.constant 0 : i32
    %broadcast_in_dim3A_226 = vector.broadcast %broadcast_in_dim3A_225 : i32 to vector<16xi32>
    %gather3A_227 = tpu.vector_load_idx %arg10[%add3A_222, %broadcast_in_dim3A_226] : memref<128x128xf32, #tpu.memory_space<vmem>>[vector<16xi32>, vector<16xi32>], vector<16xf32>,
    %broadcast_in_dim3A_228 = arith.constant 16 : i32
    %broadcast_in_dim3A_229 = vector.broadcast %broadcast_in_dim3A_228 : i32 to vector<16xi32>
    %gather3A_230 = tpu.vector_load_idx %arg11[%add3A_222, %broadcast_in_dim3A_229] : memref<128x128xf32, #tpu.memory_space<vmem>>[vector<16xi32>, vector<16xi32>], vector<16xf32>,
    %mul3A_231 = arith.mulf %gather3A_227, %gather3A_230 : vector<16xf32>
    %add3A_232 = arith.addf %broadcast_in_dim3A_224, %mul3A_231 : vector<16xf32>
    %broadcast_in_dim3A_233 = arith.constant 1 : i32
    %broadcast_in_dim3A_234 = vector.broadcast %broadcast_in_dim3A_233 : i32 to vector<16xi32>
    %gather3A_235 = tpu.vector_load_idx %arg10[%add3A_222, %broadcast_in_dim3A_234] : memref<128x128xf32, #tpu.memory_space<vmem>>[vector<16xi32>, vector<16xi32>], vector<16xf32>,
    %broadcast_in_dim3A_236 = arith.constant 17 : i32
    %broadcast_in_dim3A_237 = vector.broadcast %broadcast_in_dim3A_236 : i32 to vector<16xi32>
    %gather3A_238 = tpu.vector_load_idx %arg11[%add3A_222, %broadcast_in_dim3A_237] : memref<128x128xf32, #tpu.memory_space<vmem>>[vector<16xi32>, vector<16xi32>], vector<16xf32>,
    %mul3A_239 = arith.mulf %gather3A_235, %gather3A_238 : vector<16xf32>
    %add3A_240 = arith.addf %add3A_232, %mul3A_239 : vector<16xf32>
    %broadcast_in_dim3A_241 = arith.constant 2 : i32
    %broadcast_in_dim3A_242 = vector.broadcast %broadcast_in_dim3A_241 : i32 to vector<16xi32>
    %gather3A_243 = tpu.vector_load_idx %arg10[%add3A_222, %broadcast_in_dim3A_242] : memref<128x128xf32, #tpu.memory_space<vmem>>[vector<16xi32>, vector<16xi32>], vector<16xf32>,
    %broadcast_in_dim3A_244 = arith.constant 18 : i32
    %broadcast_in_dim3A_245 = vector.broadcast %broadcast_in_dim3A_244 : i32 to vector<16xi32>
    %gather3A_246 = tpu.vector_load_idx %arg11[%add3A_222, %broadcast_in_dim3A_245] : memref<128x128xf32, #tpu.memory_space<vmem>>[vector<16xi32>, vector<16xi32>], vector<16xf32>,
    %mul3A_247 = arith.mulf %gather3A_243, %gather3A_246 : vector<16xf32>
    %add3A_248 = arith.addf %add3A_240, %mul3A_247 : vector<16xf32>
    %broadcast_in_dim3A_249 = arith.constant 3 : i32
    %broadcast_in_dim3A_250 = vector.broadcast %broadcast_in_dim3A_249 : i32 to vector<16xi32>
    %gather3A_251 = tpu.vector_load_idx %arg10[%add3A_222, %broadcast_in_dim3A_250] : memref<128x128xf32, #tpu.memory_space<vmem>>[vector<16xi32>, vector<16xi32>], vector<16xf32>,
    %broadcast_in_dim3A_252 = arith.constant 19 : i32
    %broadcast_in_dim3A_253 = vector.broadcast %broadcast_in_dim3A_252 : i32 to vector<16xi32>
    %gather3A_254 = tpu.vector_load_idx %arg11[%add3A_222, %broadcast_in_dim3A_253] : memref<128x128xf32, #tpu.memory_space<vmem>>[vector<16xi32>, vector<16xi32>], vector<16xf32>,
    %mul3A_255 = arith.mulf %gather3A_251, %gather3A_254 : vector<16xf32>
    %add3A_256 = arith.addf %add3A_248, %mul3A_255 : vector<16xf32>
    %broadcast_in_dim3A_257 = arith.constant 4 : i32
    %broadcast_in_dim3A_258 = vector.broadcast %broadcast_in_dim3A_257 : i32 to vector<16xi32>
    %gather3A_259 = tpu.vector_load_idx %arg10[%add3A_222, %broadcast_in_dim3A_258] : memref<128x128xf32, #tpu.memory_space<vmem>>[vector<16xi32>, vector<16xi32>], vector<16xf32>,
    %broadcast_in_dim3A_260 = arith.constant 20 : i32
    %broadcast_in_dim3A_261 = vector.broadcast %broadcast_in_dim3A_260 : i32 to vector<16xi32>
    %gather3A_262 = tpu.vector_load_idx %arg11[%add3A_222, %broadcast_in_dim3A_261] : memref<128x128xf32, #tpu.memory_space<vmem>>[vector<16xi32>, vector<16xi32>], vector<16xf32>,
    %mul3A_263 = arith.mulf %gather3A_259, %gather3A_262 : vector<16xf32>
    %add3A_264 = arith.addf %add3A_256, %mul3A_263 : vector<16xf32>
    %broadcast_in_dim3A_265 = arith.constant 5 : i32
    %broadcast_in_dim3A_266 = vector.broadcast %broadcast_in_dim3A_265 : i32 to vector<16xi32>
    %gather3A_267 = tpu.vector_load_idx %arg10[%add3A_222, %broadcast_in_dim3A_266] : memref<128x128xf32, #tpu.memory_space<vmem>>[vector<16xi32>, vector<16xi32>], vector<16xf32>,
    %broadcast_in_dim3A_268 = arith.constant 21 : i32
    %broadcast_in_dim3A_269 = vector.broadcast %broadcast_in_dim3A_268 : i32 to vector<16xi32>
    %gather3A_270 = tpu.vector_load_idx %arg11[%add3A_222, %broadcast_in_dim3A_269] : memref<128x128xf32, #tpu.memory_space<vmem>>[vector<16xi32>, vector<16xi32>], vector<16xf32>,
    %mul3A_271 = arith.mulf %gather3A_267, %gather3A_270 : vector<16xf32>
    %add3A_272 = arith.addf %add3A_264, %mul3A_271 : vector<16xf32>
    %broadcast_in_dim3A_273 = arith.constant 6 : i32
    %broadcast_in_dim3A_274 = vector.broadcast %broadcast_in_dim3A_273 : i32 to vector<16xi32>
    %gather3A_275 = tpu.vector_load_idx %arg10[%add3A_222, %broadcast_in_dim3A_274] : memref<128x128xf32, #tpu.memory_space<vmem>>[vector<16xi32>, vector<16xi32>], vector<16xf32>,
    %broadcast_in_dim3A_276 = arith.constant 22 : i32
    %broadcast_in_dim3A_277 = vector.broadcast %broadcast_in_dim3A_276 : i32 to vector<16xi32>
    %gather3A_278 = tpu.vector_load_idx %arg11[%add3A_222, %broadcast_in_dim3A_277] : memref<128x128xf32, #tpu.memory_space<vmem>>[vector<16xi32>, vector<16xi32>], vector<16xf32>,
    %mul3A_279 = arith.mulf %gather3A_275, %gather3A_278 : vector<16xf32>
    %add3A_280 = arith.addf %add3A_272, %mul3A_279 : vector<16xf32>
    %broadcast_in_dim3A_281 = arith.constant 7 : i32
    %broadcast_in_dim3A_282 = vector.broadcast %broadcast_in_dim3A_281 : i32 to vector<16xi32>
    %gather3A_283 = tpu.vector_load_idx %arg10[%add3A_222, %broadcast_in_dim3A_282] : memref<128x128xf32, #tpu.memory_space<vmem>>[vector<16xi32>, vector<16xi32>], vector<16xf32>,
    %broadcast_in_dim3A_284 = arith.constant 23 : i32
    %broadcast_in_dim3A_285 = vector.broadcast %broadcast_in_dim3A_284 : i32 to vector<16xi32>
    %gather3A_286 = tpu.vector_load_idx %arg11[%add3A_222, %broadcast_in_dim3A_285] : memref<128x128xf32, #tpu.memory_space<vmem>>[vector<16xi32>, vector<16xi32>], vector<16xf32>,
    %mul3A_287 = arith.mulf %gather3A_283, %gather3A_286 : vector<16xf32>
    %add3A_288 = arith.addf %add3A_280, %mul3A_287 : vector<16xf32>
    %broadcast_in_dim3A_289 = arith.constant 8 : i32
    %broadcast_in_dim3A_290 = vector.broadcast %broadcast_in_dim3A_289 : i32 to vector<16xi32>
    %gather3A_291 = tpu.vector_load_idx %arg10[%add3A_222, %broadcast_in_dim3A_290] : memref<128x128xf32, #tpu.memory_space<vmem>>[vector<16xi32>, vector<16xi32>], vector<16xf32>,
    %broadcast_in_dim3A_292 = arith.constant 24 : i32
    %broadcast_in_dim3A_293 = vector.broadcast %broadcast_in_dim3A_292 : i32 to vector<16xi32>
    %gather3A_294 = tpu.vector_load_idx %arg11[%add3A_222, %broadcast_in_dim3A_293] : memref<128x128xf32, #tpu.memory_space<vmem>>[vector<16xi32>, vector<16xi32>], vector<16xf32>,
    %mul3A_295 = arith.mulf %gather3A_291, %gather3A_294 : vector<16xf32>
    %add3A_296 = arith.addf %add3A_288, %mul3A_295 : vector<16xf32>
    %mul3A_297 = arith.constant 0.0360843912 : f32
    %mul3A_298 = vector.broadcast %mul3A_297 : f32 to vector<16xf32>
    %mul3A_299 = arith.mulf %add3A_296, %mul3A_298 : vector<16xf32>
    %get3A_300 = arith.constant 32 : index
    %get3A_301 = tpu.vector_load %arg8[%get3A_300] {strides = array<i32>} : memref<128xf32, #tpu.memory_space<vmem>>, vector<16xf32>,
    %add3A_302 = arith.addf %mul3A_299, %get3A_301 : vector<16xf32>
    %exp3A_303 = math.exp %add3A_302 : vector<16xf32>
    %swap3A_304 = arith.constant 32 : index
    %swap3A_305 = tpu.vector_load %arg9[%swap3A_304] {strides = array<i32>} : memref<128xf32, #tpu.memory_space<vmem>>, vector<16xf32>,
    tpu.vector_store %arg9[%swap3A_304], %exp3A_303 {strides = array<i32>} : memref<128xf32, #tpu.memory_space<vmem>>, vector<16xf32>,
    %iota3A_306 = tpu.iota {dimensions = array<i32: 0>} : vector<16xi32>
    %add3A_307 = arith.constant 48 : i32
    %add3A_308 = vector.broadcast %add3A_307 : i32 to vector<16xi32>
    %add3A_309 = arith.addi %iota3A_306, %add3A_308 : vector<16xi32>
    %broadcast_in_dim3A_310 = arith.constant 0.000000e+00 : f32
    %broadcast_in_dim3A_311 = vector.broadcast %broadcast_in_dim3A_310 : f32 to vector<16xf32>
    %broadcast_in_dim3A_312 = arith.constant 0 : i32
    %broadcast_in_dim3A_313 = vector.broadcast %broadcast_in_dim3A_312 : i32 to vector<16xi32>
    %gather3A_314 = tpu.vector_load_idx %arg10[%add3A_309, %broadcast_in_dim3A_313] : memref<128x128xf32, #tpu.memory_space<vmem>>[vector<16xi32>, vector<16xi32>], vector<16xf32>,
    %broadcast_in_dim3A_315 = arith.constant 16 : i32
    %broadcast_in_dim3A_316 = vector.broadcast %broadcast_in_dim3A_315 : i32 to vector<16xi32>
    %gather3A_317 = tpu.vector_load_idx %arg11[%add3A_309, %broadcast_in_dim3A_316] : memref<128x128xf32, #tpu.memory_space<vmem>>[vector<16xi32>, vector<16xi32>], vector<16xf32>,
    %mul3A_318 = arith.mulf %gather3A_314, %gather3A_317 : vector<16xf32>
    %add3A_319 = arith.addf %broadcast_in_dim3A_311, %mul3A_318 : vector<16xf32>
    %broadcast_in_dim3A_320 = arith.constant 1 : i32
    %broadcast_in_dim3A_321 = vector.broadcast %broadcast_in_dim3A_320 : i32 to vector<16xi32>
    %gather3A_322 = tpu.vector_load_idx %arg10[%add3A_309, %broadcast_in_dim3A_321] : memref<128x128xf32, #tpu.memory_space<vmem>>[vector<16xi32>, vector<16xi32>], vector<16xf32>,
    %broadcast_in_dim3A_323 = arith.constant 17 : i32
    %broadcast_in_dim3A_324 = vector.broadcast %broadcast_in_dim3A_323 : i32 to vector<16xi32>
    %gather3A_325 = tpu.vector_load_idx %arg11[%add3A_309, %broadcast_in_dim3A_324] : memref<128x128xf32, #tpu.memory_space<vmem>>[vector<16xi32>, vector<16xi32>], vector<16xf32>,
    %mul3A_326 = arith.mulf %gather3A_322, %gather3A_325 : vector<16xf32>
    %add3A_327 = arith.addf %add3A_319, %mul3A_326 : vector<16xf32>
    %broadcast_in_dim3A_328 = arith.constant 2 : i32
    %broadcast_in_dim3A_329 = vector.broadcast %broadcast_in_dim3A_328 : i32 to vector<16xi32>
    %gather3A_330 = tpu.vector_load_idx %arg10[%add3A_309, %broadcast_in_dim3A_329] : memref<128x128xf32, #tpu.memory_space<vmem>>[vector<16xi32>, vector<16xi32>], vector<16xf32>,
    %broadcast_in_dim3A_331 = arith.constant 18 : i32
    %broadcast_in_dim3A_332 = vector.broadcast %broadcast_in_dim3A_331 : i32 to vector<16xi32>
    %gather3A_333 = tpu.vector_load_idx %arg11[%add3A_309, %broadcast_in_dim3A_332] : memref<128x128xf32, #tpu.memory_space<vmem>>[vector<16xi32>, vector<16xi32>], vector<16xf32>,
    %mul3A_334 = arith.mulf %gather3A_330, %gather3A_333 : vector<16xf32>
    %add3A_335 = arith.addf %add3A_327, %mul3A_334 : vector<16xf32>
    %broadcast_in_dim3A_336 = arith.constant 3 : i32
    %broadcast_in_dim3A_337 = vector.broadcast %broadcast_in_dim3A_336 : i32 to vector<16xi32>
    %gather3A_338 = tpu.vector_load_idx %arg10[%add3A_309, %broadcast_in_dim3A_337] : memref<128x128xf32, #tpu.memory_space<vmem>>[vector<16xi32>, vector<16xi32>], vector<16xf32>,
    %broadcast_in_dim3A_339 = arith.constant 19 : i32
    %broadcast_in_dim3A_340 = vector.broadcast %broadcast_in_dim3A_339 : i32 to vector<16xi32>
    %gather3A_341 = tpu.vector_load_idx %arg11[%add3A_309, %broadcast_in_dim3A_340] : memref<128x128xf32, #tpu.memory_space<vmem>>[vector<16xi32>, vector<16xi32>], vector<16xf32>,
    %mul3A_342 = arith.mulf %gather3A_338, %gather3A_341 : vector<16xf32>
    %add3A_343 = arith.addf %add3A_335, %mul3A_342 : vector<16xf32>
    %broadcast_in_dim3A_344 = arith.constant 4 : i32
    %broadcast_in_dim3A_345 = vector.broadcast %broadcast_in_dim3A_344 : i32 to vector<16xi32>
    %gather3A_346 = tpu.vector_load_idx %arg10[%add3A_309, %broadcast_in_dim3A_345] : memref<128x128xf32, #tpu.memory_space<vmem>>[vector<16xi32>, vector<16xi32>], vector<16xf32>,
    %broadcast_in_dim3A_347 = arith.constant 20 : i32
    %broadcast_in_dim3A_348 = vector.broadcast %broadcast_in_dim3A_347 : i32 to vector<16xi32>
    %gather3A_349 = tpu.vector_load_idx %arg11[%add3A_309, %broadcast_in_dim3A_348] : memref<128x128xf32, #tpu.memory_space<vmem>>[vector<16xi32>, vector<16xi32>], vector<16xf32>,
    %mul3A_350 = arith.mulf %gather3A_346, %gather3A_349 : vector<16xf32>
    %add3A_351 = arith.addf %add3A_343, %mul3A_350 : vector<16xf32>
    %broadcast_in_dim3A_352 = arith.constant 5 : i32
    %broadcast_in_dim3A_353 = vector.broadcast %broadcast_in_dim3A_352 : i32 to vector<16xi32>
    %gather3A_354 = tpu.vector_load_idx %arg10[%add3A_309, %broadcast_in_dim3A_353] : memref<128x128xf32, #tpu.memory_space<vmem>>[vector<16xi32>, vector<16xi32>], vector<16xf32>,
    %broadcast_in_dim3A_355 = arith.constant 21 : i32
    %broadcast_in_dim3A_356 = vector.broadcast %broadcast_in_dim3A_355 : i32 to vector<16xi32>
    %gather3A_357 = tpu.vector_load_idx %arg11[%add3A_309, %broadcast_in_dim3A_356] : memref<128x128xf32, #tpu.memory_space<vmem>>[vector<16xi32>, vector<16xi32>], vector<16xf32>,
    %mul3A_358 = arith.mulf %gather3A_354, %gather3A_357 : vector<16xf32>
    %add3A_359 = arith.addf %add3A_351, %mul3A_358 : vector<16xf32>
    %broadcast_in_dim3A_360 = arith.constant 6 : i32
    %broadcast_in_dim3A_361 = vector.broadcast %broadcast_in_dim3A_360 : i32 to vector<16xi32>
    %gather3A_362 = tpu.vector_load_idx %arg10[%add3A_309, %broadcast_in_dim3A_361] : memref<128x128xf32, #tpu.memory_space<vmem>>[vector<16xi32>, vector<16xi32>], vector<16xf32>,
    %broadcast_in_dim3A_363 = arith.constant 22 : i32
    %broadcast_in_dim3A_364 = vector.broadcast %broadcast_in_dim3A_363 : i32 to vector<16xi32>
    %gather3A_365 = tpu.vector_load_idx %arg11[%add3A_309, %broadcast_in_dim3A_364] : memref<128x128xf32, #tpu.memory_space<vmem>>[vector<16xi32>, vector<16xi32>], vector<16xf32>,
    %mul3A_366 = arith.mulf %gather3A_362, %gather3A_365 : vector<16xf32>
    %add3A_367 = arith.addf %add3A_359, %mul3A_366 : vector<16xf32>
    %broadcast_in_dim3A_368 = arith.constant 7 : i32
    %broadcast_in_dim3A_369 = vector.broadcast %broadcast_in_dim3A_368 : i32 to vector<16xi32>
    %gather3A_370 = tpu.vector_load_idx %arg10[%add3A_309, %broadcast_in_dim3A_369] : memref<128x128xf32, #tpu.memory_space<vmem>>[vector<16xi32>, vector<16xi32>], vector<16xf32>,
    %broadcast_in_dim3A_371 = arith.constant 23 : i32
    %broadcast_in_dim3A_372 = vector.broadcast %broadcast_in_dim3A_371 : i32 to vector<16xi32>
    %gather3A_373 = tpu.vector_load_idx %arg11[%add3A_309, %broadcast_in_dim3A_372] : memref<128x128xf32, #tpu.memory_space<vmem>>[vector<16xi32>, vector<16xi32>], vector<16xf32>,
    %mul3A_374 = arith.mulf %gather3A_370, %gather3A_373 : vector<16xf32>
    %add3A_375 = arith.addf %add3A_367, %mul3A_374 : vector<16xf32>
    %broadcast_in_dim3A_376 = arith.constant 8 : i32
    %broadcast_in_dim3A_377 = vector.broadcast %broadcast_in_dim3A_376 : i32 to vector<16xi32>
    %gather3A_378 = tpu.vector_load_idx %arg10[%add3A_309, %broadcast_in_dim3A_377] : memref<128x128xf32, #tpu.memory_space<vmem>>[vector<16xi32>, vector<16xi32>], vector<16xf32>,
    %broadcast_in_dim3A_379 = arith.constant 24 : i32
    %broadcast_in_dim3A_380 = vector.broadcast %broadcast_in_dim3A_379 : i32 to vector<16xi32>
    %gather3A_381 = tpu.vector_load_idx %arg11[%add3A_309, %broadcast_in_dim3A_380] : memref<128x128xf32, #tpu.memory_space<vmem>>[vector<16xi32>, vector<16xi32>], vector<16xf32>,
    %mul3A_382 = arith.mulf %gather3A_378, %gather3A_381 : vector<16xf32>
    %add3A_383 = arith.addf %add3A_375, %mul3A_382 : vector<16xf32>
    %mul3A_384 = arith.constant 0.0360843912 : f32
    %mul3A_385 = vector.broadcast %mul3A_384 : f32 to vector<16xf32>
    %mul3A_386 = arith.mulf %add3A_383, %mul3A_385 : vector<16xf32>
    %get3A_387 = arith.constant 48 : index
    %get3A_388 = tpu.vector_load %arg8[%get3A_387] {strides = array<i32>} : memref<128xf32, #tpu.memory_space<vmem>>, vector<16xf32>,
    %add3A_389 = arith.addf %mul3A_386, %get3A_388 : vector<16xf32>
    %exp3A_390 = math.exp %add3A_389 : vector<16xf32>
    %swap3A_391 = arith.constant 48 : index
    %swap3A_392 = tpu.vector_load %arg9[%swap3A_391] {strides = array<i32>} : memref<128xf32, #tpu.memory_space<vmem>>, vector<16xf32>,
    tpu.vector_store %arg9[%swap3A_391], %exp3A_390 {strides = array<i32>} : memref<128xf32, #tpu.memory_space<vmem>>, vector<16xf32>,
    %iota3A_393 = tpu.iota {dimensions = array<i32: 0>} : vector<16xi32>
    %add3A_394 = arith.constant 64 : i32
    %add3A_395 = vector.broadcast %add3A_394 : i32 to vector<16xi32>
    %add3A_396 = arith.addi %iota3A_393, %add3A_395 : vector<16xi32>
    %broadcast_in_dim3A_397 = arith.constant 0.000000e+00 : f32
    %broadcast_in_dim3A_398 = vector.broadcast %broadcast_in_dim3A_397 : f32 to vector<16xf32>
    %broadcast_in_dim3A_399 = arith.constant 0 : i32
    %broadcast_in_dim3A_400 = vector.broadcast %broadcast_in_dim3A_399 : i32 to vector<16xi32>
    %gather3A_401 = tpu.vector_load_idx %arg10[%add3A_396, %broadcast_in_dim3A_400] : memref<128x128xf32, #tpu.memory_space<vmem>>[vector<16xi32>, vector<16xi32>], vector<16xf32>,
    %broadcast_in_dim3A_402 = arith.constant 16 : i32
    %broadcast_in_dim3A_403 = vector.broadcast %broadcast_in_dim3A_402 : i32 to vector<16xi32>
    %gather3A_404 = tpu.vector_load_idx %arg11[%add3A_396, %broadcast_in_dim3A_403] : memref<128x128xf32, #tpu.memory_space<vmem>>[vector<16xi32>, vector<16xi32>], vector<16xf32>,
    %mul3A_405 = arith.mulf %gather3A_401, %gather3A_404 : vector<16xf32>
    %add3A_406 = arith.addf %broadcast_in_dim3A_398, %mul3A_405 : vector<16xf32>
    %broadcast_in_dim3A_407 = arith.constant 1 : i32
    %broadcast_in_dim3A_408 = vector.broadcast %broadcast_in_dim3A_407 : i32 to vector<16xi32>
    %gather3A_409 = tpu.vector_load_idx %arg10[%add3A_396, %broadcast_in_dim3A_408] : memref<128x128xf32, #tpu.memory_space<vmem>>[vector<16xi32>, vector<16xi32>], vector<16xf32>,
    %broadcast_in_dim3A_410 = arith.constant 17 : i32
    %broadcast_in_dim3A_411 = vector.broadcast %broadcast_in_dim3A_410 : i32 to vector<16xi32>
    %gather3A_412 = tpu.vector_load_idx %arg11[%add3A_396, %broadcast_in_dim3A_411] : memref<128x128xf32, #tpu.memory_space<vmem>>[vector<16xi32>, vector<16xi32>], vector<16xf32>,
    %mul3A_413 = arith.mulf %gather3A_409, %gather3A_412 : vector<16xf32>
    %add3A_414 = arith.addf %add3A_406, %mul3A_413 : vector<16xf32>
    %broadcast_in_dim3A_415 = arith.constant 2 : i32
    %broadcast_in_dim3A_416 = vector.broadcast %broadcast_in_dim3A_415 : i32 to vector<16xi32>
    %gather3A_417 = tpu.vector_load_idx %arg10[%add3A_396, %broadcast_in_dim3A_416] : memref<128x128xf32, #tpu.memory_space<vmem>>[vector<16xi32>, vector<16xi32>], vector<16xf32>,
    %broadcast_in_dim3A_418 = arith.constant 18 : i32
    %broadcast_in_dim3A_419 = vector.broadcast %broadcast_in_dim3A_418 : i32 to vector<16xi32>
    %gather3A_420 = tpu.vector_load_idx %arg11[%add3A_396, %broadcast_in_dim3A_419] : memref<128x128xf32, #tpu.memory_space<vmem>>[vector<16xi32>, vector<16xi32>], vector<16xf32>,
    %mul3A_421 = arith.mulf %gather3A_417, %gather3A_420 : vector<16xf32>
    %add3A_422 = arith.addf %add3A_414, %mul3A_421 : vector<16xf32>
    %broadcast_in_dim3A_423 = arith.constant 3 : i32
    %broadcast_in_dim3A_424 = vector.broadcast %broadcast_in_dim3A_423 : i32 to vector<16xi32>
    %gather3A_425 = tpu.vector_load_idx %arg10[%add3A_396, %broadcast_in_dim3A_424] : memref<128x128xf32, #tpu.memory_space<vmem>>[vector<16xi32>, vector<16xi32>], vector<16xf32>,
    %broadcast_in_dim3A_426 = arith.constant 19 : i32
    %broadcast_in_dim3A_427 = vector.broadcast %broadcast_in_dim3A_426 : i32 to vector<16xi32>
    %gather3A_428 = tpu.vector_load_idx %arg11[%add3A_396, %broadcast_in_dim3A_427] : memref<128x128xf32, #tpu.memory_space<vmem>>[vector<16xi32>, vector<16xi32>], vector<16xf32>,
    %mul3A_429 = arith.mulf %gather3A_425, %gather3A_428 : vector<16xf32>
    %add3A_430 = arith.addf %add3A_422, %mul3A_429 : vector<16xf32>
    %broadcast_in_dim3A_431 = arith.constant 4 : i32
    %broadcast_in_dim3A_432 = vector.broadcast %broadcast_in_dim3A_431 : i32 to vector<16xi32>
    %gather3A_433 = tpu.vector_load_idx %arg10[%add3A_396, %broadcast_in_dim3A_432] : memref<128x128xf32, #tpu.memory_space<vmem>>[vector<16xi32>, vector<16xi32>], vector<16xf32>,
    %broadcast_in_dim3A_434 = arith.constant 20 : i32
    %broadcast_in_dim3A_435 = vector.broadcast %broadcast_in_dim3A_434 : i32 to vector<16xi32>
    %gather3A_436 = tpu.vector_load_idx %arg11[%add3A_396, %broadcast_in_dim3A_435] : memref<128x128xf32, #tpu.memory_space<vmem>>[vector<16xi32>, vector<16xi32>], vector<16xf32>,
    %mul3A_437 = arith.mulf %gather3A_433, %gather3A_436 : vector<16xf32>
    %add3A_438 = arith.addf %add3A_430, %mul3A_437 : vector<16xf32>
    %broadcast_in_dim3A_439 = arith.constant 5 : i32
    %broadcast_in_dim3A_440 = vector.broadcast %broadcast_in_dim3A_439 : i32 to vector<16xi32>
    %gather3A_441 = tpu.vector_load_idx %arg10[%add3A_396, %broadcast_in_dim3A_440] : memref<128x128xf32, #tpu.memory_space<vmem>>[vector<16xi32>, vector<16xi32>], vector<16xf32>,
    %broadcast_in_dim3A_442 = arith.constant 21 : i32
    %broadcast_in_dim3A_443 = vector.broadcast %broadcast_in_dim3A_442 : i32 to vector<16xi32>
    %gather3A_444 = tpu.vector_load_idx %arg11[%add3A_396, %broadcast_in_dim3A_443] : memref<128x128xf32, #tpu.memory_space<vmem>>[vector<16xi32>, vector<16xi32>], vector<16xf32>,
    %mul3A_445 = arith.mulf %gather3A_441, %gather3A_444 : vector<16xf32>
    %add3A_446 = arith.addf %add3A_438, %mul3A_445 : vector<16xf32>
    %broadcast_in_dim3A_447 = arith.constant 6 : i32
    %broadcast_in_dim3A_448 = vector.broadcast %broadcast_in_dim3A_447 : i32 to vector<16xi32>
    %gather3A_449 = tpu.vector_load_idx %arg10[%add3A_396, %broadcast_in_dim3A_448] : memref<128x128xf32, #tpu.memory_space<vmem>>[vector<16xi32>, vector<16xi32>], vector<16xf32>,
    %broadcast_in_dim3A_450 = arith.constant 22 : i32
    %broadcast_in_dim3A_451 = vector.broadcast %broadcast_in_dim3A_450 : i32 to vector<16xi32>
    %gather3A_452 = tpu.vector_load_idx %arg11[%add3A_396, %broadcast_in_dim3A_451] : memref<128x128xf32, #tpu.memory_space<vmem>>[vector<16xi32>, vector<16xi32>], vector<16xf32>,
    %mul3A_453 = arith.mulf %gather3A_449, %gather3A_452 : vector<16xf32>
    %add3A_454 = arith.addf %add3A_446, %mul3A_453 : vector<16xf32>
    %broadcast_in_dim3A_455 = arith.constant 7 : i32
    %broadcast_in_dim3A_456 = vector.broadcast %broadcast_in_dim3A_455 : i32 to vector<16xi32>
    %gather3A_457 = tpu.vector_load_idx %arg10[%add3A_396, %broadcast_in_dim3A_456] : memref<128x128xf32, #tpu.memory_space<vmem>>[vector<16xi32>, vector<16xi32>], vector<16xf32>,
    %broadcast_in_dim3A_458 = arith.constant 23 : i32
    %broadcast_in_dim3A_459 = vector.broadcast %broadcast_in_dim3A_458 : i32 to vector<16xi32>
    %gather3A_460 = tpu.vector_load_idx %arg11[%add3A_396, %broadcast_in_dim3A_459] : memref<128x128xf32, #tpu.memory_space<vmem>>[vector<16xi32>, vector<16xi32>], vector<16xf32>,
    %mul3A_461 = arith.mulf %gather3A_457, %gather3A_460 : vector<16xf32>
    %add3A_462 = arith.addf %add3A_454, %mul3A_461 : vector<16xf32>
    %broadcast_in_dim3A_463 = arith.constant 8 : i32
    %broadcast_in_dim3A_464 = vector.broadcast %broadcast_in_dim3A_463 : i32 to vector<16xi32>
    %gather3A_465 = tpu.vector_load_idx %arg10[%add3A_396, %broadcast_in_dim3A_464] : memref<128x128xf32, #tpu.memory_space<vmem>>[vector<16xi32>, vector<16xi32>], vector<16xf32>,
    %broadcast_in_dim3A_466 = arith.constant 24 : i32
    %broadcast_in_dim3A_467 = vector.broadcast %broadcast_in_dim3A_466 : i32 to vector<16xi32>
    %gather3A_468 = tpu.vector_load_idx %arg11[%add3A_396, %broadcast_in_dim3A_467] : memref<128x128xf32, #tpu.memory_space<vmem>>[vector<16xi32>, vector<16xi32>], vector<16xf32>,
    %mul3A_469 = arith.mulf %gather3A_465, %gather3A_468 : vector<16xf32>
    %add3A_470 = arith.addf %add3A_462, %mul3A_469 : vector<16xf32>
    %mul3A_471 = arith.constant 0.0360843912 : f32
    %mul3A_472 = vector.broadcast %mul3A_471 : f32 to vector<16xf32>
    %mul3A_473 = arith.mulf %add3A_470, %mul3A_472 : vector<16xf32>
    %get3A_474 = arith.constant 64 : index
    %get3A_475 = tpu.vector_load %arg8[%get3A_474] {strides = array<i32>} : memref<128xf32, #tpu.memory_space<vmem>>, vector<16xf32>,
    %add3A_476 = arith.addf %mul3A_473, %get3A_475 : vector<16xf32>
    %exp3A_477 = math.exp %add3A_476 : vector<16xf32>
    %swap3A_478 = arith.constant 64 : index
    %swap3A_479 = tpu.vector_load %arg9[%swap3A_478] {strides = array<i32>} : memref<128xf32, #tpu.memory_space<vmem>>, vector<16xf32>,
    tpu.vector_store %arg9[%swap3A_478], %exp3A_477 {strides = array<i32>} : memref<128xf32, #tpu.memory_space<vmem>>, vector<16xf32>,
    %iota3A_480 = tpu.iota {dimensions = array<i32: 0>} : vector<16xi32>
    %add3A_481 = arith.constant 80 : i32
    %add3A_482 = vector.broadcast %add3A_481 : i32 to vector<16xi32>
    %add3A_483 = arith.addi %iota3A_480, %add3A_482 : vector<16xi32>
    %broadcast_in_dim3A_484 = arith.constant 0.000000e+00 : f32
    %broadcast_in_dim3A_485 = vector.broadcast %broadcast_in_dim3A_484 : f32 to vector<16xf32>
    %broadcast_in_dim3A_486 = arith.constant 0 : i32
    %broadcast_in_dim3A_487 = vector.broadcast %broadcast_in_dim3A_486 : i32 to vector<16xi32>
    %gather3A_488 = tpu.vector_load_idx %arg10[%add3A_483, %broadcast_in_dim3A_487] : memref<128x128xf32, #tpu.memory_space<vmem>>[vector<16xi32>, vector<16xi32>], vector<16xf32>,
    %broadcast_in_dim3A_489 = arith.constant 16 : i32
    %broadcast_in_dim3A_490 = vector.broadcast %broadcast_in_dim3A_489 : i32 to vector<16xi32>
    %gather3A_491 = tpu.vector_load_idx %arg11[%add3A_483, %broadcast_in_dim3A_490] : memref<128x128xf32, #tpu.memory_space<vmem>>[vector<16xi32>, vector<16xi32>], vector<16xf32>,
    %mul3A_492 = arith.mulf %gather3A_488, %gather3A_491 : vector<16xf32>
    %add3A_493 = arith.addf %broadcast_in_dim3A_485, %mul3A_492 : vector<16xf32>
    %broadcast_in_dim3A_494 = arith.constant 1 : i32
    %broadcast_in_dim3A_495 = vector.broadcast %broadcast_in_dim3A_494 : i32 to vector<16xi32>
    %gather3A_496 = tpu.vector_load_idx %arg10[%add3A_483, %broadcast_in_dim3A_495] : memref<128x128xf32, #tpu.memory_space<vmem>>[vector<16xi32>, vector<16xi32>], vector<16xf32>,
    %broadcast_in_dim3A_497 = arith.constant 17 : i32
    %broadcast_in_dim3A_498 = vector.broadcast %broadcast_in_dim3A_497 : i32 to vector<16xi32>
    %gather3A_499 = tpu.vector_load_idx %arg11[%add3A_483, %broadcast_in_dim3A_498] : memref<128x128xf32, #tpu.memory_space<vmem>>[vector<16xi32>, vector<16xi32>], vector<16xf32>,
    %mul3A_500 = arith.mulf %gather3A_496, %gather3A_499 : vector<16xf32>
    %add3A_501 = arith.addf %add3A_493, %mul3A_500 : vector<16xf32>
    %broadcast_in_dim3A_502 = arith.constant 2 : i32
    %broadcast_in_dim3A_503 = vector.broadcast %broadcast_in_dim3A_502 : i32 to vector<16xi32>
    %gather3A_504 = tpu.vector_load_idx %arg10[%add3A_483, %broadcast_in_dim3A_503] : memref<128x128xf32, #tpu.memory_space<vmem>>[vector<16xi32>, vector<16xi32>], vector<16xf32>,
    %broadcast_in_dim3A_505 = arith.constant 18 : i32
    %broadcast_in_dim3A_506 = vector.broadcast %broadcast_in_dim3A_505 : i32 to vector<16xi32>
    %gather3A_507 = tpu.vector_load_idx %arg11[%add3A_483, %broadcast_in_dim3A_506] : memref<128x128xf32, #tpu.memory_space<vmem>>[vector<16xi32>, vector<16xi32>], vector<16xf32>,
    %mul3A_508 = arith.mulf %gather3A_504, %gather3A_507 : vector<16xf32>
    %add3A_509 = arith.addf %add3A_501, %mul3A_508 : vector<16xf32>
    %broadcast_in_dim3A_510 = arith.constant 3 : i32
    %broadcast_in_dim3A_511 = vector.broadcast %broadcast_in_dim3A_510 : i32 to vector<16xi32>
    %gather3A_512 = tpu.vector_load_idx %arg10[%add3A_483, %broadcast_in_dim3A_511] : memref<128x128xf32, #tpu.memory_space<vmem>>[vector<16xi32>, vector<16xi32>], vector<16xf32>,
    %broadcast_in_dim3A_513 = arith.constant 19 : i32
    %broadcast_in_dim3A_514 = vector.broadcast %broadcast_in_dim3A_513 : i32 to vector<16xi32>
    %gather3A_515 = tpu.vector_load_idx %arg11[%add3A_483, %broadcast_in_dim3A_514] : memref<128x128xf32, #tpu.memory_space<vmem>>[vector<16xi32>, vector<16xi32>], vector<16xf32>,
    %mul3A_516 = arith.mulf %gather3A_512, %gather3A_515 : vector<16xf32>
    %add3A_517 = arith.addf %add3A_509, %mul3A_516 : vector<16xf32>
    %broadcast_in_dim3A_518 = arith.constant 4 : i32
    %broadcast_in_dim3A_519 = vector.broadcast %broadcast_in_dim3A_518 : i32 to vector<16xi32>
    %gather3A_520 = tpu.vector_load_idx %arg10[%add3A_483, %broadcast_in_dim3A_519] : memref<128x128xf32, #tpu.memory_space<vmem>>[vector<16xi32>, vector<16xi32>], vector<16xf32>,
    %broadcast_in_dim3A_521 = arith.constant 20 : i32
    %broadcast_in_dim3A_522 = vector.broadcast %broadcast_in_dim3A_521 : i32 to vector<16xi32>
    %gather3A_523 = tpu.vector_load_idx %arg11[%add3A_483, %broadcast_in_dim3A_522] : memref<128x128xf32, #tpu.memory_space<vmem>>[vector<16xi32>, vector<16xi32>], vector<16xf32>,
    %mul3A_524 = arith.mulf %gather3A_520, %gather3A_523 : vector<16xf32>
    %add3A_525 = arith.addf %add3A_517, %mul3A_524 : vector<16xf32>
    %broadcast_in_dim3A_526 = arith.constant 5 : i32
    %broadcast_in_dim3A_527 = vector.broadcast %broadcast_in_dim3A_526 : i32 to vector<16xi32>
    %gather3A_528 = tpu.vector_load_idx %arg10[%add3A_483, %broadcast_in_dim3A_527] : memref<128x128xf32, #tpu.memory_space<vmem>>[vector<16xi32>, vector<16xi32>], vector<16xf32>,
    %broadcast_in_dim3A_529 = arith.constant 21 : i32
    %broadcast_in_dim3A_530 = vector.broadcast %broadcast_in_dim3A_529 : i32 to vector<16xi32>
    %gather3A_531 = tpu.vector_load_idx %arg11[%add3A_483, %broadcast_in_dim3A_530] : memref<128x128xf32, #tpu.memory_space<vmem>>[vector<16xi32>, vector<16xi32>], vector<16xf32>,
    %mul3A_532 = arith.mulf %gather3A_528, %gather3A_531 : vector<16xf32>
    %add3A_533 = arith.addf %add3A_525, %mul3A_532 : vector<16xf32>
    %broadcast_in_dim3A_534 = arith.constant 6 : i32
    %broadcast_in_dim3A_535 = vector.broadcast %broadcast_in_dim3A_534 : i32 to vector<16xi32>
    %gather3A_536 = tpu.vector_load_idx %arg10[%add3A_483, %broadcast_in_dim3A_535] : memref<128x128xf32, #tpu.memory_space<vmem>>[vector<16xi32>, vector<16xi32>], vector<16xf32>,
    %broadcast_in_dim3A_537 = arith.constant 22 : i32
    %broadcast_in_dim3A_538 = vector.broadcast %broadcast_in_dim3A_537 : i32 to vector<16xi32>
    %gather3A_539 = tpu.vector_load_idx %arg11[%add3A_483, %broadcast_in_dim3A_538] : memref<128x128xf32, #tpu.memory_space<vmem>>[vector<16xi32>, vector<16xi32>], vector<16xf32>,
    %mul3A_540 = arith.mulf %gather3A_536, %gather3A_539 : vector<16xf32>
    %add3A_541 = arith.addf %add3A_533, %mul3A_540 : vector<16xf32>
    %broadcast_in_dim3A_542 = arith.constant 7 : i32
    %broadcast_in_dim3A_543 = vector.broadcast %broadcast_in_dim3A_542 : i32 to vector<16xi32>
    %gather3A_544 = tpu.vector_load_idx %arg10[%add3A_483, %broadcast_in_dim3A_543] : memref<128x128xf32, #tpu.memory_space<vmem>>[vector<16xi32>, vector<16xi32>], vector<16xf32>,
    %broadcast_in_dim3A_545 = arith.constant 23 : i32
    %broadcast_in_dim3A_546 = vector.broadcast %broadcast_in_dim3A_545 : i32 to vector<16xi32>
    %gather3A_547 = tpu.vector_load_idx %arg11[%add3A_483, %broadcast_in_dim3A_546] : memref<128x128xf32, #tpu.memory_space<vmem>>[vector<16xi32>, vector<16xi32>], vector<16xf32>,
    %mul3A_548 = arith.mulf %gather3A_544, %gather3A_547 : vector<16xf32>
    %add3A_549 = arith.addf %add3A_541, %mul3A_548 : vector<16xf32>
    %broadcast_in_dim3A_550 = arith.constant 8 : i32
    %broadcast_in_dim3A_551 = vector.broadcast %broadcast_in_dim3A_550 : i32 to vector<16xi32>
    %gather3A_552 = tpu.vector_load_idx %arg10[%add3A_483, %broadcast_in_dim3A_551] : memref<128x128xf32, #tpu.memory_space<vmem>>[vector<16xi32>, vector<16xi32>], vector<16xf32>,
    %broadcast_in_dim3A_553 = arith.constant 24 : i32
    %broadcast_in_dim3A_554 = vector.broadcast %broadcast_in_dim3A_553 : i32 to vector<16xi32>
    %gather3A_555 = tpu.vector_load_idx %arg11[%add3A_483, %broadcast_in_dim3A_554] : memref<128x128xf32, #tpu.memory_space<vmem>>[vector<16xi32>, vector<16xi32>], vector<16xf32>,
    %mul3A_556 = arith.mulf %gather3A_552, %gather3A_555 : vector<16xf32>
    %add3A_557 = arith.addf %add3A_549, %mul3A_556 : vector<16xf32>
    %mul3A_558 = arith.constant 0.0360843912 : f32
    %mul3A_559 = vector.broadcast %mul3A_558 : f32 to vector<16xf32>
    %mul3A_560 = arith.mulf %add3A_557, %mul3A_559 : vector<16xf32>
    %get3A_561 = arith.constant 80 : index
    %get3A_562 = tpu.vector_load %arg8[%get3A_561] {strides = array<i32>} : memref<128xf32, #tpu.memory_space<vmem>>, vector<16xf32>,
    %add3A_563 = arith.addf %mul3A_560, %get3A_562 : vector<16xf32>
    %exp3A_564 = math.exp %add3A_563 : vector<16xf32>
    %swap3A_565 = arith.constant 80 : index
    %swap3A_566 = tpu.vector_load %arg9[%swap3A_565] {strides = array<i32>} : memref<128xf32, #tpu.memory_space<vmem>>, vector<16xf32>,
    tpu.vector_store %arg9[%swap3A_565], %exp3A_564 {strides = array<i32>} : memref<128xf32, #tpu.memory_space<vmem>>, vector<16xf32>,
    %iota3A_567 = tpu.iota {dimensions = array<i32: 0>} : vector<16xi32>
    %add3A_568 = arith.constant 96 : i32
    %add3A_569 = vector.broadcast %add3A_568 : i32 to vector<16xi32>
    %add3A_570 = arith.addi %iota3A_567, %add3A_569 : vector<16xi32>
    %broadcast_in_dim3A_571 = arith.constant 0.000000e+00 : f32
    %broadcast_in_dim3A_572 = vector.broadcast %broadcast_in_dim3A_571 : f32 to vector<16xf32>
    %broadcast_in_dim3A_573 = arith.constant 0 : i32
    %broadcast_in_dim3A_574 = vector.broadcast %broadcast_in_dim3A_573 : i32 to vector<16xi32>
    %gather3A_575 = tpu.vector_load_idx %arg10[%add3A_570, %broadcast_in_dim3A_574] : memref<128x128xf32, #tpu.memory_space<vmem>>[vector<16xi32>, vector<16xi32>], vector<16xf32>,
    %broadcast_in_dim3A_576 = arith.constant 16 : i32
    %broadcast_in_dim3A_577 = vector.broadcast %broadcast_in_dim3A_576 : i32 to vector<16xi32>
    %gather3A_578 = tpu.vector_load_idx %arg11[%add3A_570, %broadcast_in_dim3A_577] : memref<128x128xf32, #tpu.memory_space<vmem>>[vector<16xi32>, vector<16xi32>], vector<16xf32>,
    %mul3A_579 = arith.mulf %gather3A_575, %gather3A_578 : vector<16xf32>
    %add3A_580 = arith.addf %broadcast_in_dim3A_572, %mul3A_579 : vector<16xf32>
    %broadcast_in_dim3A_581 = arith.constant 1 : i32
    %broadcast_in_dim3A_582 = vector.broadcast %broadcast_in_dim3A_581 : i32 to vector<16xi32>
    %gather3A_583 = tpu.vector_load_idx %arg10[%add3A_570, %broadcast_in_dim3A_582] : memref<128x128xf32, #tpu.memory_space<vmem>>[vector<16xi32>, vector<16xi32>], vector<16xf32>,
    %broadcast_in_dim3A_584 = arith.constant 17 : i32
    %broadcast_in_dim3A_585 = vector.broadcast %broadcast_in_dim3A_584 : i32 to vector<16xi32>
    %gather3A_586 = tpu.vector_load_idx %arg11[%add3A_570, %broadcast_in_dim3A_585] : memref<128x128xf32, #tpu.memory_space<vmem>>[vector<16xi32>, vector<16xi32>], vector<16xf32>,
    %mul3A_587 = arith.mulf %gather3A_583, %gather3A_586 : vector<16xf32>
    %add3A_588 = arith.addf %add3A_580, %mul3A_587 : vector<16xf32>
    %broadcast_in_dim3A_589 = arith.constant 2 : i32
    %broadcast_in_dim3A_590 = vector.broadcast %broadcast_in_dim3A_589 : i32 to vector<16xi32>
    %gather3A_591 = tpu.vector_load_idx %arg10[%add3A_570, %broadcast_in_dim3A_590] : memref<128x128xf32, #tpu.memory_space<vmem>>[vector<16xi32>, vector<16xi32>], vector<16xf32>,
    %broadcast_in_dim3A_592 = arith.constant 18 : i32
    %broadcast_in_dim3A_593 = vector.broadcast %broadcast_in_dim3A_592 : i32 to vector<16xi32>
    %gather3A_594 = tpu.vector_load_idx %arg11[%add3A_570, %broadcast_in_dim3A_593] : memref<128x128xf32, #tpu.memory_space<vmem>>[vector<16xi32>, vector<16xi32>], vector<16xf32>,
    %mul3A_595 = arith.mulf %gather3A_591, %gather3A_594 : vector<16xf32>
    %add3A_596 = arith.addf %add3A_588, %mul3A_595 : vector<16xf32>
    %broadcast_in_dim3A_597 = arith.constant 3 : i32
    %broadcast_in_dim3A_598 = vector.broadcast %broadcast_in_dim3A_597 : i32 to vector<16xi32>
    %gather3A_599 = tpu.vector_load_idx %arg10[%add3A_570, %broadcast_in_dim3A_598] : memref<128x128xf32, #tpu.memory_space<vmem>>[vector<16xi32>, vector<16xi32>], vector<16xf32>,
    %broadcast_in_dim3A_600 = arith.constant 19 : i32
    %broadcast_in_dim3A_601 = vector.broadcast %broadcast_in_dim3A_600 : i32 to vector<16xi32>
    %gather3A_602 = tpu.vector_load_idx %arg11[%add3A_570, %broadcast_in_dim3A_601] : memref<128x128xf32, #tpu.memory_space<vmem>>[vector<16xi32>, vector<16xi32>], vector<16xf32>,
    %mul3A_603 = arith.mulf %gather3A_599, %gather3A_602 : vector<16xf32>
    %add3A_604 = arith.addf %add3A_596, %mul3A_603 : vector<16xf32>
    %broadcast_in_dim3A_605 = arith.constant 4 : i32
    %broadcast_in_dim3A_606 = vector.broadcast %broadcast_in_dim3A_605 : i32 to vector<16xi32>
    %gather3A_607 = tpu.vector_load_idx %arg10[%add3A_570, %broadcast_in_dim3A_606] : memref<128x128xf32, #tpu.memory_space<vmem>>[vector<16xi32>, vector<16xi32>], vector<16xf32>,
    %broadcast_in_dim3A_608 = arith.constant 20 : i32
    %broadcast_in_dim3A_609 = vector.broadcast %broadcast_in_dim3A_608 : i32 to vector<16xi32>
    %gather3A_610 = tpu.vector_load_idx %arg11[%add3A_570, %broadcast_in_dim3A_609] : memref<128x128xf32, #tpu.memory_space<vmem>>[vector<16xi32>, vector<16xi32>], vector<16xf32>,
    %mul3A_611 = arith.mulf %gather3A_607, %gather3A_610 : vector<16xf32>
    %add3A_612 = arith.addf %add3A_604, %mul3A_611 : vector<16xf32>
    %broadcast_in_dim3A_613 = arith.constant 5 : i32
    %broadcast_in_dim3A_614 = vector.broadcast %broadcast_in_dim3A_613 : i32 to vector<16xi32>
    %gather3A_615 = tpu.vector_load_idx %arg10[%add3A_570, %broadcast_in_dim3A_614] : memref<128x128xf32, #tpu.memory_space<vmem>>[vector<16xi32>, vector<16xi32>], vector<16xf32>,
    %broadcast_in_dim3A_616 = arith.constant 21 : i32
    %broadcast_in_dim3A_617 = vector.broadcast %broadcast_in_dim3A_616 : i32 to vector<16xi32>
    %gather3A_618 = tpu.vector_load_idx %arg11[%add3A_570, %broadcast_in_dim3A_617] : memref<128x128xf32, #tpu.memory_space<vmem>>[vector<16xi32>, vector<16xi32>], vector<16xf32>,
    %mul3A_619 = arith.mulf %gather3A_615, %gather3A_618 : vector<16xf32>
    %add3A_620 = arith.addf %add3A_612, %mul3A_619 : vector<16xf32>
    %broadcast_in_dim3A_621 = arith.constant 6 : i32
    %broadcast_in_dim3A_622 = vector.broadcast %broadcast_in_dim3A_621 : i32 to vector<16xi32>
    %gather3A_623 = tpu.vector_load_idx %arg10[%add3A_570, %broadcast_in_dim3A_622] : memref<128x128xf32, #tpu.memory_space<vmem>>[vector<16xi32>, vector<16xi32>], vector<16xf32>,
    %broadcast_in_dim3A_624 = arith.constant 22 : i32
    %broadcast_in_dim3A_625 = vector.broadcast %broadcast_in_dim3A_624 : i32 to vector<16xi32>
    %gather3A_626 = tpu.vector_load_idx %arg11[%add3A_570, %broadcast_in_dim3A_625] : memref<128x128xf32, #tpu.memory_space<vmem>>[vector<16xi32>, vector<16xi32>], vector<16xf32>,
    %mul3A_627 = arith.mulf %gather3A_623, %gather3A_626 : vector<16xf32>
    %add3A_628 = arith.addf %add3A_620, %mul3A_627 : vector<16xf32>
    %broadcast_in_dim3A_629 = arith.constant 7 : i32
    %broadcast_in_dim3A_630 = vector.broadcast %broadcast_in_dim3A_629 : i32 to vector<16xi32>
    %gather3A_631 = tpu.vector_load_idx %arg10[%add3A_570, %broadcast_in_dim3A_630] : memref<128x128xf32, #tpu.memory_space<vmem>>[vector<16xi32>, vector<16xi32>], vector<16xf32>,
    %broadcast_in_dim3A_632 = arith.constant 23 : i32
    %broadcast_in_dim3A_633 = vector.broadcast %broadcast_in_dim3A_632 : i32 to vector<16xi32>
    %gather3A_634 = tpu.vector_load_idx %arg11[%add3A_570, %broadcast_in_dim3A_633] : memref<128x128xf32, #tpu.memory_space<vmem>>[vector<16xi32>, vector<16xi32>], vector<16xf32>,
    %mul3A_635 = arith.mulf %gather3A_631, %gather3A_634 : vector<16xf32>
    %add3A_636 = arith.addf %add3A_628, %mul3A_635 : vector<16xf32>
    %broadcast_in_dim3A_637 = arith.constant 8 : i32
    %broadcast_in_dim3A_638 = vector.broadcast %broadcast_in_dim3A_637 : i32 to vector<16xi32>
    %gather3A_639 = tpu.vector_load_idx %arg10[%add3A_570, %broadcast_in_dim3A_638] : memref<128x128xf32, #tpu.memory_space<vmem>>[vector<16xi32>, vector<16xi32>], vector<16xf32>,
    %broadcast_in_dim3A_640 = arith.constant 24 : i32
    %broadcast_in_dim3A_641 = vector.broadcast %broadcast_in_dim3A_640 : i32 to vector<16xi32>
    %gather3A_642 = tpu.vector_load_idx %arg11[%add3A_570, %broadcast_in_dim3A_641] : memref<128x128xf32, #tpu.memory_space<vmem>>[vector<16xi32>, vector<16xi32>], vector<16xf32>,
    %mul3A_643 = arith.mulf %gather3A_639, %gather3A_642 : vector<16xf32>
    %add3A_644 = arith.addf %add3A_636, %mul3A_643 : vector<16xf32>
    %mul3A_645 = arith.constant 0.0360843912 : f32
    %mul3A_646 = vector.broadcast %mul3A_645 : f32 to vector<16xf32>
    %mul3A_647 = arith.mulf %add3A_644, %mul3A_646 : vector<16xf32>
    %get3A_648 = arith.constant 96 : index
    %get3A_649 = tpu.vector_load %arg8[%get3A_648] {strides = array<i32>} : memref<128xf32, #tpu.memory_space<vmem>>, vector<16xf32>,
    %add3A_650 = arith.addf %mul3A_647, %get3A_649 : vector<16xf32>
    %exp3A_651 = math.exp %add3A_650 : vector<16xf32>
    %swap3A_652 = arith.constant 96 : index
    %swap3A_653 = tpu.vector_load %arg9[%swap3A_652] {strides = array<i32>} : memref<128xf32, #tpu.memory_space<vmem>>, vector<16xf32>,
    tpu.vector_store %arg9[%swap3A_652], %exp3A_651 {strides = array<i32>} : memref<128xf32, #tpu.memory_space<vmem>>, vector<16xf32>,
    %iota3A_654 = tpu.iota {dimensions = array<i32: 0>} : vector<16xi32>
    %add3A_655 = arith.constant 112 : i32
    %add3A_656 = vector.broadcast %add3A_655 : i32 to vector<16xi32>
    %add3A_657 = arith.addi %iota3A_654, %add3A_656 : vector<16xi32>
    %broadcast_in_dim3A_658 = arith.constant 0.000000e+00 : f32
    %broadcast_in_dim3A_659 = vector.broadcast %broadcast_in_dim3A_658 : f32 to vector<16xf32>
    %broadcast_in_dim3A_660 = arith.constant 0 : i32
    %broadcast_in_dim3A_661 = vector.broadcast %broadcast_in_dim3A_660 : i32 to vector<16xi32>
    %gather3A_662 = tpu.vector_load_idx %arg10[%add3A_657, %broadcast_in_dim3A_661] : memref<128x128xf32, #tpu.memory_space<vmem>>[vector<16xi32>, vector<16xi32>], vector<16xf32>,
    %broadcast_in_dim3A_663 = arith.constant 16 : i32
    %broadcast_in_dim3A_664 = vector.broadcast %broadcast_in_dim3A_663 : i32 to vector<16xi32>
    %gather3A_665 = tpu.vector_load_idx %arg11[%add3A_657, %broadcast_in_dim3A_664] : memref<128x128xf32, #tpu.memory_space<vmem>>[vector<16xi32>, vector<16xi32>], vector<16xf32>,
    %mul3A_666 = arith.mulf %gather3A_662, %gather3A_665 : vector<16xf32>
    %add3A_667 = arith.addf %broadcast_in_dim3A_659, %mul3A_666 : vector<16xf32>
    %broadcast_in_dim3A_668 = arith.constant 1 : i32
    %broadcast_in_dim3A_669 = vector.broadcast %broadcast_in_dim3A_668 : i32 to vector<16xi32>
    %gather3A_670 = tpu.vector_load_idx %arg10[%add3A_657, %broadcast_in_dim3A_669] : memref<128x128xf32, #tpu.memory_space<vmem>>[vector<16xi32>, vector<16xi32>], vector<16xf32>,
    %broadcast_in_dim3A_671 = arith.constant 17 : i32
    %broadcast_in_dim3A_672 = vector.broadcast %broadcast_in_dim3A_671 : i32 to vector<16xi32>
    %gather3A_673 = tpu.vector_load_idx %arg11[%add3A_657, %broadcast_in_dim3A_672] : memref<128x128xf32, #tpu.memory_space<vmem>>[vector<16xi32>, vector<16xi32>], vector<16xf32>,
    %mul3A_674 = arith.mulf %gather3A_670, %gather3A_673 : vector<16xf32>
    %add3A_675 = arith.addf %add3A_667, %mul3A_674 : vector<16xf32>
    %broadcast_in_dim3A_676 = arith.constant 2 : i32
    %broadcast_in_dim3A_677 = vector.broadcast %broadcast_in_dim3A_676 : i32 to vector<16xi32>
    %gather3A_678 = tpu.vector_load_idx %arg10[%add3A_657, %broadcast_in_dim3A_677] : memref<128x128xf32, #tpu.memory_space<vmem>>[vector<16xi32>, vector<16xi32>], vector<16xf32>,
    %broadcast_in_dim3A_679 = arith.constant 18 : i32
    %broadcast_in_dim3A_680 = vector.broadcast %broadcast_in_dim3A_679 : i32 to vector<16xi32>
    %gather3A_681 = tpu.vector_load_idx %arg11[%add3A_657, %broadcast_in_dim3A_680] : memref<128x128xf32, #tpu.memory_space<vmem>>[vector<16xi32>, vector<16xi32>], vector<16xf32>,
    %mul3A_682 = arith.mulf %gather3A_678, %gather3A_681 : vector<16xf32>
    %add3A_683 = arith.addf %add3A_675, %mul3A_682 : vector<16xf32>
    %broadcast_in_dim3A_684 = arith.constant 3 : i32
    %broadcast_in_dim3A_685 = vector.broadcast %broadcast_in_dim3A_684 : i32 to vector<16xi32>
    %gather3A_686 = tpu.vector_load_idx %arg10[%add3A_657, %broadcast_in_dim3A_685] : memref<128x128xf32, #tpu.memory_space<vmem>>[vector<16xi32>, vector<16xi32>], vector<16xf32>,
    %broadcast_in_dim3A_687 = arith.constant 19 : i32
    %broadcast_in_dim3A_688 = vector.broadcast %broadcast_in_dim3A_687 : i32 to vector<16xi32>
    %gather3A_689 = tpu.vector_load_idx %arg11[%add3A_657, %broadcast_in_dim3A_688] : memref<128x128xf32, #tpu.memory_space<vmem>>[vector<16xi32>, vector<16xi32>], vector<16xf32>,
    %mul3A_690 = arith.mulf %gather3A_686, %gather3A_689 : vector<16xf32>
    %add3A_691 = arith.addf %add3A_683, %mul3A_690 : vector<16xf32>
    %broadcast_in_dim3A_692 = arith.constant 4 : i32
    %broadcast_in_dim3A_693 = vector.broadcast %broadcast_in_dim3A_692 : i32 to vector<16xi32>
    %gather3A_694 = tpu.vector_load_idx %arg10[%add3A_657, %broadcast_in_dim3A_693] : memref<128x128xf32, #tpu.memory_space<vmem>>[vector<16xi32>, vector<16xi32>], vector<16xf32>,
    %broadcast_in_dim3A_695 = arith.constant 20 : i32
    %broadcast_in_dim3A_696 = vector.broadcast %broadcast_in_dim3A_695 : i32 to vector<16xi32>
    %gather3A_697 = tpu.vector_load_idx %arg11[%add3A_657, %broadcast_in_dim3A_696] : memref<128x128xf32, #tpu.memory_space<vmem>>[vector<16xi32>, vector<16xi32>], vector<16xf32>,
    %mul3A_698 = arith.mulf %gather3A_694, %gather3A_697 : vector<16xf32>
    %add3A_699 = arith.addf %add3A_691, %mul3A_698 : vector<16xf32>
    %broadcast_in_dim3A_700 = arith.constant 5 : i32
    %broadcast_in_dim3A_701 = vector.broadcast %broadcast_in_dim3A_700 : i32 to vector<16xi32>
    %gather3A_702 = tpu.vector_load_idx %arg10[%add3A_657, %broadcast_in_dim3A_701] : memref<128x128xf32, #tpu.memory_space<vmem>>[vector<16xi32>, vector<16xi32>], vector<16xf32>,
    %broadcast_in_dim3A_703 = arith.constant 21 : i32
    %broadcast_in_dim3A_704 = vector.broadcast %broadcast_in_dim3A_703 : i32 to vector<16xi32>
    %gather3A_705 = tpu.vector_load_idx %arg11[%add3A_657, %broadcast_in_dim3A_704] : memref<128x128xf32, #tpu.memory_space<vmem>>[vector<16xi32>, vector<16xi32>], vector<16xf32>,
    %mul3A_706 = arith.mulf %gather3A_702, %gather3A_705 : vector<16xf32>
    %add3A_707 = arith.addf %add3A_699, %mul3A_706 : vector<16xf32>
    %broadcast_in_dim3A_708 = arith.constant 6 : i32
    %broadcast_in_dim3A_709 = vector.broadcast %broadcast_in_dim3A_708 : i32 to vector<16xi32>
    %gather3A_710 = tpu.vector_load_idx %arg10[%add3A_657, %broadcast_in_dim3A_709] : memref<128x128xf32, #tpu.memory_space<vmem>>[vector<16xi32>, vector<16xi32>], vector<16xf32>,
    %broadcast_in_dim3A_711 = arith.constant 22 : i32
    %broadcast_in_dim3A_712 = vector.broadcast %broadcast_in_dim3A_711 : i32 to vector<16xi32>
    %gather3A_713 = tpu.vector_load_idx %arg11[%add3A_657, %broadcast_in_dim3A_712] : memref<128x128xf32, #tpu.memory_space<vmem>>[vector<16xi32>, vector<16xi32>], vector<16xf32>,
    %mul3A_714 = arith.mulf %gather3A_710, %gather3A_713 : vector<16xf32>
    %add3A_715 = arith.addf %add3A_707, %mul3A_714 : vector<16xf32>
    %broadcast_in_dim3A_716 = arith.constant 7 : i32
    %broadcast_in_dim3A_717 = vector.broadcast %broadcast_in_dim3A_716 : i32 to vector<16xi32>
    %gather3A_718 = tpu.vector_load_idx %arg10[%add3A_657, %broadcast_in_dim3A_717] : memref<128x128xf32, #tpu.memory_space<vmem>>[vector<16xi32>, vector<16xi32>], vector<16xf32>,
    %broadcast_in_dim3A_719 = arith.constant 23 : i32
    %broadcast_in_dim3A_720 = vector.broadcast %broadcast_in_dim3A_719 : i32 to vector<16xi32>
    %gather3A_721 = tpu.vector_load_idx %arg11[%add3A_657, %broadcast_in_dim3A_720] : memref<128x128xf32, #tpu.memory_space<vmem>>[vector<16xi32>, vector<16xi32>], vector<16xf32>,
    %mul3A_722 = arith.mulf %gather3A_718, %gather3A_721 : vector<16xf32>
    %add3A_723 = arith.addf %add3A_715, %mul3A_722 : vector<16xf32>
    %broadcast_in_dim3A_724 = arith.constant 8 : i32
    %broadcast_in_dim3A_725 = vector.broadcast %broadcast_in_dim3A_724 : i32 to vector<16xi32>
    %gather3A_726 = tpu.vector_load_idx %arg10[%add3A_657, %broadcast_in_dim3A_725] : memref<128x128xf32, #tpu.memory_space<vmem>>[vector<16xi32>, vector<16xi32>], vector<16xf32>,
    %broadcast_in_dim3A_727 = arith.constant 24 : i32
    %broadcast_in_dim3A_728 = vector.broadcast %broadcast_in_dim3A_727 : i32 to vector<16xi32>
    %gather3A_729 = tpu.vector_load_idx %arg11[%add3A_657, %broadcast_in_dim3A_728] : memref<128x128xf32, #tpu.memory_space<vmem>>[vector<16xi32>, vector<16xi32>], vector<16xf32>,
    %mul3A_730 = arith.mulf %gather3A_726, %gather3A_729 : vector<16xf32>
    %add3A_731 = arith.addf %add3A_723, %mul3A_730 : vector<16xf32>
    %mul3A_732 = arith.constant 0.0360843912 : f32
    %mul3A_733 = vector.broadcast %mul3A_732 : f32 to vector<16xf32>
    %mul3A_734 = arith.mulf %add3A_731, %mul3A_733 : vector<16xf32>
    %get3A_735 = arith.constant 112 : index
    %get3A_736 = tpu.vector_load %arg8[%get3A_735] {strides = array<i32>} : memref<128xf32, #tpu.memory_space<vmem>>, vector<16xf32>,
    %add3A_737 = arith.addf %mul3A_734, %get3A_736 : vector<16xf32>
    %exp3A_738 = math.exp %add3A_737 : vector<16xf32>
    %swap3A_739 = arith.constant 112 : index
    %swap3A_740 = tpu.vector_load %arg9[%swap3A_739] {strides = array<i32>} : memref<128xf32, #tpu.memory_space<vmem>>, vector<16xf32>,
    tpu.vector_store %arg9[%swap3A_739], %exp3A_738 {strides = array<i32>} : memref<128xf32, #tpu.memory_space<vmem>>, vector<16xf32>,
    "tpu.region"() ({
      %run_scoped3A_746 = tpu.sem_alloc : memref<!tpu.dma_semaphore, #tpu.memory_space<semaphore_mem>>
      %dma_start3A_747 = arith.constant 0 : i32
      %dma_start3A_748 = tpu.memref_slice %arg13[%dma_start3A_747] : memref<4096xf32, #tpu.memory_space<vmem_shared>> -> memref<4096xf32, #tpu.memory_space<vmem_shared>>
      tpu.enqueue_indirect_dma source(%arg9 : memref<128xf32, #tpu.memory_space<vmem>>) target(%dma_start3A_748 : memref<4096xf32, #tpu.memory_space<vmem_shared>>) offsets(%arg7 : memref<128xi32, #tpu.memory_space<vmem>>) semaphore(%run_scoped3A_746 : memref<!tpu.dma_semaphore, #tpu.memory_space<semaphore_mem>>) {add = true}
      %dma_wait3A_749 = arith.constant 0 : i32
      %dma_wait3A_750 = tpu.memref_slice %arg13[%dma_wait3A_749] : memref<4096xf32, #tpu.memory_space<vmem_shared>> -> memref<4096xf32, #tpu.memory_space<vmem_shared>>
      tpu.wait_indirect_dma semaphore(%run_scoped3A_746 : memref<!tpu.dma_semaphore, #tpu.memory_space<semaphore_mem>>) src(%arg9 : memref<128xf32, #tpu.memory_space<vmem>>) dst(%dma_wait3A_750 : memref<4096xf32, #tpu.memory_space<vmem_shared>>)
      tpu.yield
    }) : () -> ()
    %barrier3A_741 = arith.constant 0 : index
    tpu.barrier barrier_id(%barrier3A_741)
    %mul3A_742 = arith.constant 256 : i32
    %mul3A_743 = arith.muli %arg1, %mul3A_742 : i32
    %mul3A_744 = arith.constant 256 : i32
    %mul3A_745 = arith.muli %arg1, %mul3A_744 : i32
    "tpu.region"() ({
      %run_scoped3A_746 = tpu.sem_alloc : memref<!tpu.dma_semaphore, #tpu.memory_space<semaphore_mem>>
      %dma_start3A_747 = tpu.memref_slice %arg5[%arg0, %mul3A_745] : memref<2x4096xf32, #tpu.memory_space<hbm>> -> memref<1x256xf32, #tpu.memory_space<hbm>>
      %dma_start3A_748 = tpu.memref_squeeze %dma_start3A_747 : memref<1x256xf32, #tpu.memory_space<hbm>> -> memref<256xf32, #tpu.memory_space<hbm>>
      %dma_start3A_749 = tpu.memref_slice %arg13[%mul3A_743] : memref<4096xf32, #tpu.memory_space<vmem_shared>> -> memref<256xf32, #tpu.memory_space<vmem_shared>>
      tpu.enqueue_dma source(%dma_start3A_749 : memref<256xf32, #tpu.memory_space<vmem_shared>>) target(%dma_start3A_748 : memref<256xf32, #tpu.memory_space<hbm>>) target_semaphore(%run_scoped3A_746 : memref<!tpu.dma_semaphore, #tpu.memory_space<semaphore_mem>>)
      %dma_wait3A_750 = tpu.memref_slice %arg5[%arg0, %mul3A_745] : memref<2x4096xf32, #tpu.memory_space<hbm>> -> memref<1x256xf32, #tpu.memory_space<hbm>>
      %dma_wait3A_751 = tpu.memref_squeeze %dma_wait3A_750 : memref<1x256xf32, #tpu.memory_space<hbm>> -> memref<256xf32, #tpu.memory_space<hbm>>
      %dma_wait3A_752 = tpu.memref_slice %arg13[%mul3A_743] : memref<4096xf32, #tpu.memory_space<vmem_shared>> -> memref<256xf32, #tpu.memory_space<vmem_shared>>
      tpu.wait_dma2 semaphore(%run_scoped3A_746 : memref<!tpu.dma_semaphore, #tpu.memory_space<semaphore_mem>>) src(%dma_wait3A_752 : memref<256xf32, #tpu.memory_space<vmem_shared>>) dst(%dma_wait3A_751 : memref<256xf32, #tpu.memory_space<hbm>>)
      tpu.yield
    }) : () -> ()
    return
  }
}

module attributes {stable_mosaic.version = 14 : i64} {
  func.func @_prep_body(%arg0: memref<4096x9xf32, #tpu.memory_space<vmem>>, %arg1: memref<3x4096xf32, #tpu.memory_space<vmem>>, %arg2: memref<9x128xf32, #tpu.memory_space<vmem>>, %arg3: memref<1x32xf32, #tpu.memory_space<vmem>>, %arg4: memref<1x1xf32, #tpu.memory_space<vmem>>, %arg5: memref<32x1xf32, #tpu.memory_space<vmem>>, %arg6: memref<4096x128xf32, #tpu.memory_space<vmem>>, %arg7: memref<1x4096xf32, #tpu.memory_space<vmem>>) attributes {dimension_semantics = [], scalar_prefetch = 0 : i64, scratch_operands = 0 : i64, tpu.core_type = #tpu.core_type<tc>} {
    %get3A = arith.constant 0 : index
    %get3A_0 = arith.constant 0 : index
    %get3A_1 = vector.load %arg1[%get3A, %get3A_0] : memref<3x4096xf32, #tpu.memory_space<vmem>>, vector<3x4096xf32>
    %mul3A = arith.mulf %get3A_1, %get3A_1 : vector<3x4096xf32>
    %reduce_sum3A = arith.constant dense<0.000000e+00> : vector<4096xf32>
    %reduce_sum3A_2 = vector.multi_reduction <add>, %mul3A, %reduce_sum3A [0] : vector<3x4096xf32> to vector<4096xf32>
    %broadcast_in_dim3A = vector.shape_cast %reduce_sum3A_2 : vector<4096xf32> to vector<1x4096xf32>
    %sqrt3A = math.sqrt %broadcast_in_dim3A : vector<1x4096xf32>
    %get3A_3 = arith.constant 0 : index
    %get3A_4 = arith.constant 0 : index
    %get3A_5 = vector.load %arg5[%get3A_3, %get3A_4] : memref<32x1xf32, #tpu.memory_space<vmem>>, vector<32x1xf32>
    %mul3A_6 = vector.broadcast %get3A_5 : vector<32x1xf32> to vector<32x4096xf32>
    %mul3A_7 = vector.broadcast %sqrt3A : vector<1x4096xf32> to vector<32x4096xf32>
    %mul3A_8 = arith.mulf %mul3A_6, %mul3A_7 : vector<32x4096xf32>
    %sin3A = math.sin %mul3A_8 : vector<32x4096xf32>
    %max3A = arith.constant 9.99999993E-9 : f32
    %max3A_9 = vector.broadcast %max3A : f32 to vector<1x4096xf32>
    %max3A_10 = arith.maximumf %sqrt3A, %max3A_9 : vector<1x4096xf32>
    %mul3A_11 = arith.constant 0.314159274 : f32
    %mul3A_12 = vector.broadcast %mul3A_11 : f32 to vector<1x4096xf32>
    %mul3A_13 = arith.mulf %sqrt3A, %mul3A_12 : vector<1x4096xf32>
    %cos3A = math.cos %mul3A_13 : vector<1x4096xf32>
    %add3A = arith.constant 1.000000e+00 : f32
    %add3A_14 = vector.broadcast %add3A : f32 to vector<1x4096xf32>
    %add3A_15 = arith.addf %cos3A, %add3A_14 : vector<1x4096xf32>
    %mul3A_16 = arith.constant 5.000000e-01 : f32
    %mul3A_17 = vector.broadcast %mul3A_16 : f32 to vector<1x4096xf32>
    %mul3A_18 = arith.mulf %mul3A_17, %add3A_15 : vector<1x4096xf32>
    %lt3A = arith.constant 1.000000e+01 : f32
    %lt3A_19 = vector.broadcast %lt3A : f32 to vector<1x4096xf32>
    %lt3A_20 = arith.cmpf olt, %sqrt3A, %lt3A_19 : vector<1x4096xf32>
    %convert_element_type3A = arith.extui %lt3A_20 : vector<1x4096xi1> to vector<1x4096xi32>
    %convert_element_type3A_21 = arith.sitofp %convert_element_type3A : vector<1x4096xi32> to vector<1x4096xf32>
    %mul3A_22 = arith.mulf %mul3A_18, %convert_element_type3A_21 : vector<1x4096xf32>
    %div3A = vector.broadcast %max3A_10 : vector<1x4096xf32> to vector<32x4096xf32>
    %div3A_23 = arith.divf %sin3A, %div3A : vector<32x4096xf32>
    %mul3A_24 = vector.broadcast %mul3A_22 : vector<1x4096xf32> to vector<32x4096xf32>
    %mul3A_25 = arith.mulf %div3A_23, %mul3A_24 : vector<32x4096xf32>
    %get3A_26 = arith.constant 0 : index
    %get3A_27 = arith.constant 0 : index
    %get3A_28 = vector.load %arg3[%get3A_26, %get3A_27] : memref<1x32xf32, #tpu.memory_space<vmem>>, vector<1x32xf32>
    %dot_general3A = arith.constant dense<0.000000e+00> : vector<1x4096xf32>
    %dot_general3A_29 = tpu.matmul %get3A_28, %mul3A_25, %dot_general3A {dimension_numbers = #tpu.dot_dimension_numbers<[1], [0], [0], [1], [0, 0, 1, 1], [], []>, precision = #tpu.contract_precision<fp32>, transpose_lhs_hint = false} : vector<1x32xf32>, vector<32x4096xf32>, vector<1x4096xf32> -> vector<1x4096xf32>
    %get3A_30 = arith.constant 0 : index
    %get3A_31 = arith.constant 0 : index
    %get3A_32 = vector.load %arg4[%get3A_30, %get3A_31] : memref<1x1xf32, #tpu.memory_space<vmem>>, vector<1x1xf32>
    %get3A_33 = vector.extract %get3A_32[0, 0] : f32 from vector<1x1xf32>
    %add3A_34 = vector.broadcast %get3A_33 : f32 to vector<1x4096xf32>
    %add3A_35 = arith.addf %dot_general3A_29, %add3A_34 : vector<1x4096xf32>
    %mul3A_36 = arith.constant 6.250000e-02 : f32
    %mul3A_37 = vector.broadcast %mul3A_36 : f32 to vector<1x4096xf32>
    %mul3A_38 = arith.mulf %add3A_35, %mul3A_37 : vector<1x4096xf32>
    %swap3A = arith.constant 0 : index
    %swap3A_39 = arith.constant 0 : index
    %swap3A_40 = vector.load %arg7[%swap3A, %swap3A_39] : memref<1x4096xf32, #tpu.memory_space<vmem>>, vector<1x4096xf32>
    tpu.vector_store %arg7[%swap3A, %swap3A_39], %mul3A_38 {strides = array<i32>} : memref<1x4096xf32, #tpu.memory_space<vmem>>, vector<1x4096xf32>,
    %get3A_41 = arith.constant 0 : index
    %get3A_42 = arith.constant 0 : index
    %get3A_43 = vector.load %arg0[%get3A_41, %get3A_42] : memref<4096x9xf32, #tpu.memory_space<vmem>>, vector<4096x9xf32>
    %get3A_44 = arith.constant 0 : index
    %get3A_45 = arith.constant 0 : index
    %get3A_46 = vector.load %arg2[%get3A_44, %get3A_45] : memref<9x128xf32, #tpu.memory_space<vmem>>, vector<9x128xf32>
    %dot_general3A_47 = arith.constant dense<0.000000e+00> : vector<4096x128xf32>
    %dot_general3A_48 = tpu.matmul %get3A_43, %get3A_46, %dot_general3A_47 {dimension_numbers = #tpu.dot_dimension_numbers<[1], [0], [0], [1], [0, 0, 1, 1], [], []>, precision = #tpu.contract_precision<fp32>, transpose_lhs_hint = false} : vector<4096x9xf32>, vector<9x128xf32>, vector<4096x128xf32> -> vector<4096x128xf32>
    %swap3A_49 = arith.constant 0 : index
    %swap3A_50 = arith.constant 0 : index
    %swap3A_51 = vector.load %arg6[%swap3A_49, %swap3A_50] : memref<4096x128xf32, #tpu.memory_space<vmem>>, vector<4096x128xf32>
    tpu.vector_store %arg6[%swap3A_49, %swap3A_50], %dot_general3A_48 {strides = array<i32>} : memref<4096x128xf32, #tpu.memory_space<vmem>>, vector<4096x128xf32>,
    return
  }
}

module attributes {stable_mosaic.version = 14 : i64} {
  func.func @_finish_body(%arg0: memref<2x4096xf32, #tpu.memory_space<vmem>>, %arg1: memref<4096x256xf32, #tpu.memory_space<vmem>>, %arg2: memref<4096x9xf32, #tpu.memory_space<vmem>>, %arg3: memref<256x256xf32, #tpu.memory_space<vmem>>, %arg4: memref<1x256xf32, #tpu.memory_space<vmem>>, %arg5: memref<256x256xf32, #tpu.memory_space<vmem>>, %arg6: memref<1x256xf32, #tpu.memory_space<vmem>>, %arg7: memref<9x9xf32, #tpu.memory_space<vmem>>, %arg8: memref<1x9xf32, #tpu.memory_space<vmem>>, %arg9: memref<1x256xf32, #tpu.memory_space<vmem>>, %arg10: memref<1x256xf32, #tpu.memory_space<vmem>>, %arg11: memref<4096x256xf32, #tpu.memory_space<vmem>>, %arg12: memref<1x9xf32, #tpu.memory_space<vmem>>) attributes {dimension_semantics = [], scalar_prefetch = 0 : i64, scratch_operands = 0 : i64, tpu.core_type = #tpu.core_type<tc>} {
    %get3A = arith.constant 0 : index
    %get3A_0 = arith.constant 0 : index
    %get3A_1 = vector.load %arg0[%get3A, %get3A_0] : memref<2x4096xf32, #tpu.memory_space<vmem>>, vector<1x4096xf32>
    %get3A_2 = arith.constant 1 : index
    %get3A_3 = arith.constant 0 : index
    %get3A_4 = vector.load %arg0[%get3A_2, %get3A_3] : memref<2x4096xf32, #tpu.memory_space<vmem>>, vector<1x4096xf32>
    %add3A = arith.addf %get3A_1, %get3A_4 : vector<1x4096xf32>
    %reduce_sum3A = vector.shape_cast %add3A : vector<1x4096xf32> to vector<1x1x4096xf32>
    %reduce_sum3A_5 = arith.constant dense<0.000000e+00> : vector<1xf32>
    %reduce_sum3A_6 = vector.multi_reduction <add>, %reduce_sum3A, %reduce_sum3A_5 [1, 2] : vector<1x1x4096xf32> to vector<1xf32>
    %reduce_sum3A_7 = vector.shape_cast %reduce_sum3A_6 : vector<1xf32> to vector<1x1x1xf32>
    %reduce_sum3A_8 = vector.extract %reduce_sum3A_7[0, 0, 0] : f32 from vector<1x1x1xf32>
    %div3A = arith.constant 1.000000e+00 : f32
    %div3A_9 = arith.divf %div3A, %reduce_sum3A_8 : f32
    %mul3A = vector.broadcast %div3A_9 : f32 to vector<1x4096xf32>
    %mul3A_10 = arith.mulf %add3A, %mul3A : vector<1x4096xf32>
    %get3A_11 = arith.constant 0 : index
    %get3A_12 = arith.constant 0 : index
    %get3A_13 = vector.load %arg1[%get3A_11, %get3A_12] : memref<4096x256xf32, #tpu.memory_space<vmem>>, vector<4096x256xf32>
    %dot_general3A = arith.constant dense<0.000000e+00> : vector<1x256xf32>
    %dot_general3A_14 = tpu.matmul %mul3A_10, %get3A_13, %dot_general3A {dimension_numbers = #tpu.dot_dimension_numbers<[1], [0], [0], [1], [0, 0, 1, 1], [], []>, precision = #tpu.contract_precision<fp32>, transpose_lhs_hint = false} : vector<1x4096xf32>, vector<4096x256xf32>, vector<1x256xf32> -> vector<1x256xf32>
    %get3A_15 = arith.constant 0 : index
    %get3A_16 = arith.constant 0 : index
    %get3A_17 = vector.load %arg2[%get3A_15, %get3A_16] : memref<4096x9xf32, #tpu.memory_space<vmem>>, vector<4096x9xf32>
    %dot_general3A_18 = arith.constant dense<0.000000e+00> : vector<1x9xf32>
    %dot_general3A_19 = tpu.matmul %mul3A_10, %get3A_17, %dot_general3A_18 {dimension_numbers = #tpu.dot_dimension_numbers<[1], [0], [0], [1], [0, 0, 1, 1], [], []>, precision = #tpu.contract_precision<fp32>, transpose_lhs_hint = false} : vector<1x4096xf32>, vector<4096x9xf32>, vector<1x9xf32> -> vector<1x9xf32>
    %get3A_20 = arith.constant 0 : index
    %get3A_21 = arith.constant 0 : index
    %get3A_22 = vector.load %arg3[%get3A_20, %get3A_21] : memref<256x256xf32, #tpu.memory_space<vmem>>, vector<256x256xf32>
    %dot_general3A_23 = arith.constant dense<0.000000e+00> : vector<1x256xf32>
    %dot_general3A_24 = tpu.matmul %dot_general3A_14, %get3A_22, %dot_general3A_23 {dimension_numbers = #tpu.dot_dimension_numbers<[1], [1], [0], [0], [0, 0, 1, 0], [], []>, precision = #tpu.contract_precision<fp32>, transpose_lhs_hint = false} : vector<1x256xf32>, vector<256x256xf32>, vector<1x256xf32> -> vector<1x256xf32>
    %get3A_25 = arith.constant 0 : index
    %get3A_26 = arith.constant 0 : index
    %get3A_27 = vector.load %arg4[%get3A_25, %get3A_26] : memref<1x256xf32, #tpu.memory_space<vmem>>, vector<1x256xf32>
    %add3A_28 = arith.addf %dot_general3A_24, %get3A_27 : vector<1x256xf32>
    %get3A_29 = arith.constant 0 : index
    %get3A_30 = arith.constant 0 : index
    %get3A_31 = vector.load %arg5[%get3A_29, %get3A_30] : memref<256x256xf32, #tpu.memory_space<vmem>>, vector<256x256xf32>
    %dot_general3A_32 = arith.constant dense<0.000000e+00> : vector<1x256xf32>
    %dot_general3A_33 = tpu.matmul %add3A_28, %get3A_31, %dot_general3A_32 {dimension_numbers = #tpu.dot_dimension_numbers<[1], [1], [0], [0], [0, 0, 1, 0], [], []>, precision = #tpu.contract_precision<fp32>, transpose_lhs_hint = false} : vector<1x256xf32>, vector<256x256xf32>, vector<1x256xf32> -> vector<1x256xf32>
    %get3A_34 = arith.constant 0 : index
    %get3A_35 = arith.constant 0 : index
    %get3A_36 = vector.load %arg6[%get3A_34, %get3A_35] : memref<1x256xf32, #tpu.memory_space<vmem>>, vector<1x256xf32>
    %add3A_37 = arith.addf %dot_general3A_33, %get3A_36 : vector<1x256xf32>
    %get3A_38 = arith.constant 0 : index
    %get3A_39 = arith.constant 0 : index
    %get3A_40 = vector.load %arg1[%get3A_38, %get3A_39] : memref<4096x256xf32, #tpu.memory_space<vmem>>, vector<4096x256xf32>
    %add3A_41 = vector.broadcast %add3A_37 : vector<1x256xf32> to vector<4096x256xf32>
    %add3A_42 = arith.addf %get3A_40, %add3A_41 : vector<4096x256xf32>
    %reduce_sum3A_43 = arith.constant dense<0.000000e+00> : vector<4096xf32>
    %reduce_sum3A_44 = vector.multi_reduction <add>, %add3A_42, %reduce_sum3A_43 [1] : vector<4096x256xf32> to vector<4096xf32>
    %broadcast_in_dim3A = vector.shape_cast %reduce_sum3A_44 : vector<4096xf32> to vector<4096x1xf32>
    %div3A_45 = arith.constant 2.560000e+02 : f32
    %div3A_46 = vector.broadcast %div3A_45 : f32 to vector<4096x1xf32>
    %div3A_47 = arith.divf %broadcast_in_dim3A, %div3A_46 : vector<4096x1xf32>
    %sub3A = vector.broadcast %div3A_47 : vector<4096x1xf32> to vector<4096x256xf32>
    %sub3A_48 = arith.subf %add3A_42, %sub3A : vector<4096x256xf32>
    %mul3A_49 = arith.mulf %sub3A_48, %sub3A_48 : vector<4096x256xf32>
    %reduce_sum3A_50 = arith.constant dense<0.000000e+00> : vector<4096xf32>
    %reduce_sum3A_51 = vector.multi_reduction <add>, %mul3A_49, %reduce_sum3A_50 [1] : vector<4096x256xf32> to vector<4096xf32>
    %broadcast_in_dim3A_52 = vector.shape_cast %reduce_sum3A_51 : vector<4096xf32> to vector<4096x1xf32>
    %div3A_53 = arith.constant 2.560000e+02 : f32
    %div3A_54 = vector.broadcast %div3A_53 : f32 to vector<4096x1xf32>
    %div3A_55 = arith.divf %broadcast_in_dim3A_52, %div3A_54 : vector<4096x1xf32>
    %add3A_56 = arith.constant 9.99999974E-6 : f32
    %add3A_57 = vector.broadcast %add3A_56 : f32 to vector<4096x1xf32>
    %add3A_58 = arith.addf %div3A_55, %add3A_57 : vector<4096x1xf32>
    %rsqrt3A = math.rsqrt %add3A_58 : vector<4096x1xf32>
    %mul3A_59 = vector.broadcast %rsqrt3A : vector<4096x1xf32> to vector<4096x256xf32>
    %mul3A_60 = arith.mulf %sub3A_48, %mul3A_59 : vector<4096x256xf32>
    %get3A_61 = arith.constant 0 : index
    %get3A_62 = arith.constant 0 : index
    %get3A_63 = vector.load %arg9[%get3A_61, %get3A_62] : memref<1x256xf32, #tpu.memory_space<vmem>>, vector<1x256xf32>
    %mul3A_64 = vector.broadcast %get3A_63 : vector<1x256xf32> to vector<4096x256xf32>
    %mul3A_65 = arith.mulf %mul3A_60, %mul3A_64 : vector<4096x256xf32>
    %get3A_66 = arith.constant 0 : index
    %get3A_67 = arith.constant 0 : index
    %get3A_68 = vector.load %arg10[%get3A_66, %get3A_67] : memref<1x256xf32, #tpu.memory_space<vmem>>, vector<1x256xf32>
    %add3A_69 = vector.broadcast %get3A_68 : vector<1x256xf32> to vector<4096x256xf32>
    %add3A_70 = arith.addf %mul3A_65, %add3A_69 : vector<4096x256xf32>
    %swap3A = arith.constant 0 : index
    %swap3A_71 = arith.constant 0 : index
    %swap3A_72 = vector.load %arg11[%swap3A, %swap3A_71] : memref<4096x256xf32, #tpu.memory_space<vmem>>, vector<4096x256xf32>
    tpu.vector_store %arg11[%swap3A, %swap3A_71], %add3A_70 {strides = array<i32>} : memref<4096x256xf32, #tpu.memory_space<vmem>>, vector<4096x256xf32>,
    %get3A_73 = arith.constant 0 : index
    %get3A_74 = arith.constant 0 : index
    %get3A_75 = vector.load %arg7[%get3A_73, %get3A_74] : memref<9x9xf32, #tpu.memory_space<vmem>>, vector<9x9xf32>
    %dot_general3A_76 = arith.constant dense<0.000000e+00> : vector<1x9xf32>
    %dot_general3A_77 = tpu.matmul %dot_general3A_19, %get3A_75, %dot_general3A_76 {dimension_numbers = #tpu.dot_dimension_numbers<[1], [0], [0], [1], [0, 0, 1, 1], [], []>, precision = #tpu.contract_precision<fp32>, transpose_lhs_hint = false} : vector<1x9xf32>, vector<9x9xf32>, vector<1x9xf32> -> vector<1x9xf32>
    %get3A_78 = arith.constant 0 : index
    %get3A_79 = arith.constant 0 : index
    %get3A_80 = vector.load %arg8[%get3A_78, %get3A_79] : memref<1x9xf32, #tpu.memory_space<vmem>>, vector<1x9xf32>
    %add3A_81 = arith.addf %dot_general3A_77, %get3A_80 : vector<1x9xf32>
    %swap3A_82 = arith.constant 0 : index
    %swap3A_83 = arith.constant 0 : index
    %swap3A_84 = vector.load %arg12[%swap3A_82, %swap3A_83] : memref<1x9xf32, #tpu.memory_space<vmem>>, vector<1x9xf32>
    tpu.vector_store %arg12[%swap3A_82, %swap3A_83], %add3A_81 {strides = array<i32>} : memref<1x9xf32, #tpu.memory_space<vmem>>, vector<1x9xf32>,
    return
  }
}

</mosaic_0001>

<sc_bundles>
// kernel: kernel.5.cloned.1.call-start
scs
__scs_entry_jumppad:
0x0: {  	(pc) =	sbr.rel $0x88, $3  }
0x1: {  	(tag) =	ssettag $0x0;
	lr =	simm.s32 $0x1  }
0x2: {  	[smem:$0x3F90] =	sst lr;
	_ =	strace $0xD0000000  }
0x3: {  	_ = 	snop  }
0x4: {  	_ = 	snop  }
0x5: {  	_ = 	snop  }
0x6: {  	_ = 	snop  }
0x7: {  	_ = 	snop  }
__scs_overlays_trampoline_lowered:
0x8: {  	[smem:$0x3F9F] =	sst s0  }
0x9: {  	[smem:$0x3FA0] =	sst s1  }
0xa: {  	[smem:$0x3FA1] =	sst s2  }
0xb: {  	[smem:$0x3FA2] =	sst s3  }
0xc: {  	[smem:$0x3FA3] =	sst s4  }
0xd: {  	[smem:$0x3FA4] =	sst s5  }
0xe: {  	[smem:$0x3FA5] =	sst s6  }
0xf: {  	[smem:$0x3FA6] =	sst s7  }
0x10: {  	[smem:$0x3FA7] =	sst s8  }
0x11: {  	[smem:$0x3FA8] =	sst s9;
	s0 =	simm.s32 @!p0 $0x0  }
0x12: {  	s1 =	sld [smem:$0x3F8E];
	s0 =	simm.s32 @p0 $0x1  }
0x13: {  	[smem:$0x3FA9] =	sst s0;
	s0 =	simm.s32 @!p1 $0x0  }
0x14: {  	s2 =	sld [smem:$0x3F8D];
	s0 =	simm.s32 @p1 $0x1  }
0x15: {  	[smem:$0x3FAA] =	sst s0;
	s0 =	simm.s32 @!p2 $0x0  }
0x16: {  	s3 =	sld [smem:$0x3FDB];
	s0 =	simm.s32 @p2 $0x1  }
0x17: {  	s4 =	simm.s32 $0x1BF5;
	[smem:$0x3FAC] =	sst s0  }
0x18: {  	s0 =	sld [smem:$0x3F8F];
	_ =	swait.ge [sflag:s4], $0x0  }
0x19: {  	s7 =	sld [smem:$0x3F90]  }
0x1a: {  	s8 =	sadd.s32 $0xFFFFE003, lr  }
0x1b: {  	s9 =	sadd.s32 $0xFFFFFEF7, lr;
	s5 =	simm.s32 $0xFFFFFFFF;
	p2 =	slt.u32 s8, $0xFFFFF086  }
0x1c: {  	p1 =	slt.u32 s9, $0xF7A;
	s5 =	simm.s32 @!p2 $0x0  }
0x1d: {  	s5 =	simm.s32 @p1 $0x1;
	p0 =	seq.s32 s7, s2  }
0x1e: {  	s7 =	smul.u32 @!p0 $0xF7A, s2;
	p2 =	seq.s32 @!p0 s5, $0x0  }
0x1f: {  	s9 =	smul.u32 $0xF7A, s1;
	s8 =	simm.s32 @!p0 $0x1BF5;
	p2 =	por !p2, p0  }
0x20: {  	[sflag:s8] =	ssyncset.s32 @!p0 $0xFFFFF086;
	s6 =	sadd.s32 @!p0 s3, s7;
	s7 =	simm.s32 @!p0 $0x108  }
0x21: {  	s3 =	sadd.s32 s3, s9;
	s6 =	sadd.s32 @!p0 $0x88, s6;
	s7 =	simm.s32 @p2 $0x1082  }
0x22: {  	[simem:s7], [sflag:s8] =	dma.local @!p0 [hbm:s6], $0xF7A  }
0x23: {  	s9 =	sor.u32 $0xD0000000, s2;
	s6 =	simm.s32 $0x108;
	_ =	swait.ge @!p0 [sflag:s8], $0x0  }
0x24: {  	s3 =	sadd.s32 $0x88, s3;
	s6 =	simm.s32 @!p1 $0x1082;
	[sflag:s4] =	ssyncset.s32 $0xFFFFF086  }
0x25: {  	[simem:s6], [sflag:s4] =	dma.local [hbm:s3], $0xF7A  }
0x26: {  	[smem:$0x3F90] =	sst s1;
	(tag) =	ssettag s2;
	_ =	strace s9  }
0x27: {  	s1 =	sld [smem:$0x3FA0]  }
0x28: {  	s2 =	sld [smem:$0x3FA1]  }
0x29: {  	s4 =	sld [smem:$0x3FA3]  }
0x2a: {  	p0 =	seq.s32 s5, $0x0;
	s5 =	sld [smem:$0x3FA4]  }
0x2b: {  	s6 =	sld [smem:$0x3FA5]  }
0x2c: {  	s7 =	sld [smem:$0x3FA6]  }
0x2d: {  	s3 =	simm.s32 $0x108;
	s8 =	sld [smem:$0x3FA7]  }
0x2e: {  	s3 =	simm.s32 @!p0 $0x1082;
	s9 =	sld [smem:$0x3FA8]  }
0x2f: {  	lr =	sadd.s32 s0, s3;
	s0 =	sld [smem:$0x3F9F]  }
0x30: {  	s3 =	sld [smem:$0x3FA2]  }
0x31: {  	[smem:$0x3FAB] =	sst s10  }
0x32: {  	s10 =	sld [smem:$0x3FA9];
	_ =	sdelay $0x3  }
0x33: {  	p0 =	seq.s32 s10, $0x1;
	s10 =	sld [smem:$0x3FAB];
	_ =	sdelay $0x3  }
0x34: {  	[smem:$0x3FAB] =	sst s10  }
0x35: {  	s10 =	sld [smem:$0x3FAA];
	_ =	sdelay $0x3  }
0x36: {  	p1 =	seq.s32 s10, $0x1;
	s10 =	sld [smem:$0x3FAB];
	_ =	sdelay $0x3  }
0x37: {  	[smem:$0x3FAB] =	sst s10  }
0x38: {  	s10 =	sld [smem:$0x3FAC]  }
0x39: {  	_ = 	snop;
	(pc) =	sbr.ind lr, $3  }
0x3a: {  	_ = 	snop  }
0x3b: {  	_ = 	snop  }
0x3c: {  	p2 =	seq.s32 s10, $0x1;
	s10 =	sld [smem:$0x3FAB]  }
0x3d: {  	_ =	shalt  }
0x3e: {  	_ =	shalt  }
0x3f: {  	_ =	shalt  }
0x40: {  	_ =	shalt  }
0x41: {  	_ =	shalt  }
0x42: {  	_ =	shalt  }
0x43: {  	_ =	shalt  }
0x44: {  	_ =	shalt  }
0x45: {  	_ =	shalt  }
0x46: {  	_ =	shalt  }
0x47: {  	_ =	shalt  }
0x48: {  	_ =	shalt  }
0x49: {  	_ =	shalt  }
0x4a: {  	_ =	shalt  }
0x4b: {  	_ =	shalt  }
0x4c: {  	_ =	shalt  }
0x4d: {  	_ =	shalt  }
0x4e: {  	_ =	shalt  }
0x4f: {  	_ =	shalt  }
0x50: {  	_ =	shalt  }
0x51: {  	_ =	shalt  }
0x52: {  	_ =	shalt  }
0x53: {  	_ =	shalt  }
0x54: {  	_ =	shalt  }
0x55: {  	_ =	shalt  }
0x56: {  	_ =	shalt  }
0x57: {  	_ =	shalt  }
0x58: {  	_ =	shalt  }
0x59: {  	_ =	shalt  }
0x5a: {  	_ =	shalt  }
0x5b: {  	_ =	shalt  }
0x5c: {  	_ =	shalt  }
0x5d: {  	_ =	shalt  }
0x5e: {  	_ =	shalt  }
0x5f: {  	_ =	shalt  }
0x60: {  	_ =	shalt  }
0x61: {  	_ =	shalt  }
0x62: {  	_ =	shalt  }
0x63: {  	_ =	shalt  }
0x64: {  	_ =	shalt  }
0x65: {  	_ =	shalt  }
0x66: {  	_ =	shalt  }
0x67: {  	_ =	shalt  }
0x68: {  	_ =	shalt  }
0x69: {  	_ =	shalt  }
0x6a: {  	_ =	shalt  }
0x6b: {  	_ =	shalt  }
0x6c: {  	_ =	shalt  }
0x6d: {  	_ =	shalt  }
0x6e: {  	_ =	shalt  }
0x6f: {  	_ =	shalt  }
0x70: {  	_ =	shalt  }
0x71: {  	_ =	shalt  }
0x72: {  	_ =	shalt  }
0x73: {  	_ =	shalt  }
0x74: {  	_ =	shalt  }
0x75: {  	_ =	shalt  }
0x76: {  	_ =	shalt  }
0x77: {  	_ =	shalt  }
0x78: {  	_ =	shalt  }
0x79: {  	_ =	shalt  }
0x7a: {  	_ =	shalt  }
0x7b: {  	_ =	shalt  }
0x7c: {  	_ =	shalt  }
0x7d: {  	_ =	shalt  }
0x7e: {  	_ =	shalt  }
0x7f: {  	_ =	shalt  }
0x80: {  	_ =	shalt  }
0x81: {  	_ =	shalt  }
0x82: {  	_ =	shalt  }
0x83: {  	_ =	shalt  }
0x84: {  	_ =	shalt  }
0x85: {  	_ =	shalt  }
0x86: {  	_ =	shalt  }
0x87: {  	_ =	shalt  }
.Lfunc_end0:
.L_simem_size_0:
called_computation_lowered:
.L_overlay_start_0:
0x88: {  	s2 =	sld [smem:$0x3FD9]  }
0x89: {  	s3 =	sld [smem:$0x3FFE];
	_ =	sdelay $0x1  }
0x8a: {  	s1 =	srdreg.scid  }
0x8b: {  	s0 =	sand.u32 $0x1, s1  }
0x8c: {  	s14 =	sshll.u32 s0, $0xA;
	s2 =	sadd.s32 s3, s2  }
0x8d: {  	s2 =	sadd.s32 s2, s14  }
0x8e: {  	[smem:$0x3FB7] =	sst s2  }
0x8f: {  	_ = 	snop  }
0x90: {  	s2 =	sld [smem:$0x3FD0];
	_ =	sdelay $0x2  }
0x91: {  	s4 =	simm.s32 $0xA;
	s5 =	simm.s32 $0x10;
	s15 =	sld [smem:$0x3FC7]  }
0x92: {  	[smem:s5], [sflag:s4] =	dma.local [hbm:s2], $0x1  }
0x93: {  	_ =	swait.eq [sflag:s4], $0x1  }
0x94: {  	[sflag:s4] =	ssyncset.done $0x0  }
0x95: {  	s16 =	sld [smem:$0x10];
	[sflag:s4] =	ssyncadd.s32 $0xFFFFFFFF  }
0x96: {  	s17 =	sld [smem:$0x11];
	(tm) =	ssettm $0x1  }
0x97: {  	s18 =	sld [smem:$0x3FFB];
	_ =	sdelay $0x3  }
0x98: {  	_ =	strace s18  }
0x99: {  	s5 =	sld [smem:$0x3FFC];
	_ =	sdelay $0x3  }
0x9a: {  	_ =	strace s5  }
0x9b: {  	s5 =	sld [smem:$0x3FFD];
	_ =	sdelay $0x3  }
0x9c: {  	_ =	strace s5  }
0x9d: {  	_ =	strace $0x8FFFFFFF  }
0x9e: {  	s19 =	sld [smem:$0x3FDB];
	_ =	sdelay $0x1  }
0x9f: {  	s6 =	simm.s32 $_scs_section_size  }
0xa0: {  	s7 =	simm.s32 $_size__tile_overlayer_lowered;
	s8 =	simm.s32 $_tile_overlayer_lowered  }
0xa1: {  	s22 =	simm.s32 $0x1BFF;
	s21 =	sshll.u32 s8, $0x1;
	s5 =	sadd.s32 s6, s19  }
0xa2: {  	s9 =	simm.s32 $0x0;
	s20 =	sshll.u32 s7, $0x1;
	s7 =	sadd.s32 s21, s5  }
0xa3: {  	[timem:s9], [sflag:s22] =	dma.local [hbm:s7], s20  }
0xa4: {  	_ =	swait.ge [sflag:s22], s20  }
0xa5: {  	s6 =	ssub.s32 $0x0, s20;
	[sflag:s22] =	ssyncset.done $0x0  }
0xa6: {  	[sflag:s22] =	ssyncadd.s32 s6;
	_ =	sdelay $0x1  }
0xa7: {  	s23 =	simm.s32 $0x1B8B  }
0xa8: {  	_ =	swait.ge [sflag:s23], $0x1  }
0xa9: {  	[sflag:s23] =	ssyncset.done $0x0  }
0xaa: {  	s25 =	simm.s32 $0x1B8E;
	s24 =	sld [smem:$0x3FFE];
	[sflag:s23] =	ssyncadd.s32 $0xFFFFFFFF  }
0xab: {  	s26 =	simm.s32 $execute0_lowered;
	[smem:$0x3FD2] =	sst s25  }
0xac: {  	s7 =	sshll.u32 s26, $0x1;
	_ =	strace $0x80000046;
	[dreg:$0x1] =	wrdreg $0xFFFFFFFF  }
0xad: {  	s28 =	simm.s32 $_size_execute0_lowered;
	s5 =	sadd.s32 s5, s7;
	[dreg:$0x0] =	wrdreg $0x0  }
0xae: {  	s7 =	sshll.u32 s28, $0x1;
	[dreg:$0x2] =	wrdreg s5  }
0xaf: {  	[dreg:$0x3] =	wrdreg s7  }
0xb0: {  	[dreg:$0x4] =	wrdreg $0xC0  }
0xb1: {  	_ =	task [dreg:s9], $0x5FFFF  }
0xb2: {  	[dreg:$0x1] =	wrdreg $0xFFFFFFFF  }
0xb3: {  	[dreg:$0x0] =	wrdreg $0x60  }
0xb4: {  	[dreg:$0x2] =	wrdreg s16  }
0xb5: {  	[dreg:$0x3] =	wrdreg s15  }
0xb6: {  	[dreg:$0x4] =	wrdreg s24  }
0xb7: {  	[dreg:$0x5] =	wrdreg s17  }
0xb8: {  	[dreg:$0x6] =	wrdreg $0x83000  }
0xb9: {  	[dreg:$0x7] =	wrdreg $0x9  }
0xba: {  	_ =	task.clear_ibuf [dreg:s9], $0x8FFFF;
	_ =	strace $0x90000046  }
0xbb: {  	s29 =	simm.s32 $0x9;
	_ =	strace $0x80000048  }
0xbc: {  	_ =	swait.ge [sflag:s29], $0x1  }
0xbd: {  	[sflag:s29] =	ssyncadd.s32 $0xFFFFFFFF  }
0xbe: {  	_ =	strace $0x90000048  }
0xbf: {  	_ =	sfence  }
0xc0: {  	s30 =	sld [smem:$0x0];
	_ =	sdelay $0x2  }
0xc1: {  	s31 =	sshll.u32 s1, $0xD;
	s1 =	sshrl.u32 s1, $0x2  }
0xc2: {  	s3 =	sand.u32 $0x4000, s31;
	s1 =	sadd.s32 s1, s30  }
0xc3: {  	s0 =	sor.u32 s3, s0;
	s1 =	sshll.u32 s1, $0x11  }
0xc4: {  	s0 =	sor.u32 s1, s0  }
0xc5: {  	s0 =	sadd.s32 $0x8F2B, s0  }
0xc6: {  	[sflag:s0] =	ssyncadd.remote.s32 $0x1  }
0xc7: {  	_ =	sfence.sel $0xFFFF  }
0xc8: {  	[dreg:$0x0] =	wrdreg $0xFFFFFFFF;
	(pc) =	sbr.abs _section_cstart, $3  }
0xc9: {  	[dreg:$0x1] =	wrdreg $0xFFFFFFFF  }
0xca: {  	_ =	task.clear_ibuf [dreg:s9], $0x2FFFF;
	_ =	strace $0x9FFFFFFF  }
0xcb: {  	(tm) =	ssettm $0x7FFFFFFF  }
tec
execute0_lowered:
.L_overlay_start_1:
0x0: {  	(tag) =	ssettag $0x1  }
0x1: {  	v0 =	vlaneseq.u32  }
0x2: {  	v0 =	vmul.u32 $0x80, v0;
	_ =	sdelay $0x1  }
0x3: {  	v1 =	vimm.f32 $0.0e+00;
	v2 =	vor.u32 $0x10, v0;
	v15 =	vor.u32 $0x7, v0  }
0x4: {  	v16 =	vor.u32 $0x17, v0;
	v17 =	vor.u32 $0x8, v0;
	v18 =	vor.u32 $0x18, v0  }
0x5: {  	v19 =	vor.u32 $0x800, v0;
	v20 =	vor.u32 $0x810, v0;
	v21 =	vor.u32 $0x801, v0  }
0x6: {  	s0 =	rddreg [dreg:$0x0];
	v22 =	vor.u32 $0x811, v0;
	v23 =	vor.u32 $0x802, v0;
	v24 =	vor.u32 $0x812, v0  }
0x7: {  	s6 =	rddreg [dreg:$0x1];
	v25 =	vor.u32 $0x803, v0;
	v26 =	vor.u32 $0x813, v0;
	v27 =	vor.u32 $0x804, v0  }
0x8: {  	s5 =	rddreg [dreg:$0x2];
	v28 =	vor.u32 $0x814, v0;
	v29 =	vor.u32 $0x805, v0;
	v30 =	vor.u32 $0x815, v0  }
0x9: {  	s9 =	rddreg [dreg:$0x3];
	v31 =	vor.u32 $0x806, v0;
	v32 =	vor.u32 $0x816, v0;
	v33 =	vor.u32 $0x807, v0  }
0xa: {  	s1 =	rddreg [dreg:$0x4];
	v34 =	vor.u32 $0x817, v0;
	v35 =	vor.u32 $0x808, v0;
	[tilespmem:$0x1FF30] =	vst v2;
	v2 =	vor.u32 $0x1, v0  }
0xb: {  	s4 =	srdreg.scid;
	s2 =	stileid.u32;
	v36 =	vor.u32 $0x818, v0;
	v37 =	vor.u32 $0x1000, v0;
	[tilespmem:$0x1FF40] =	vst v2;
	v2 =	vor.u32 $0x11, v0  }
0xc: {  	s3 =	rddreg [dreg:$0x5];
	s13 =	simm.s32 $0x80;
	s14 =	simm.s32 $0x100;
	v38 =	vor.u32 $0x1010, v0;
	v39 =	vor.u32 $0x1001, v0;
	[tilespmem:$0x1FF50] =	vst v2;
	v2 =	vor.u32 $0x2, v0  }
0xd: {  	s15 =	simm.s32 $0x200;
	s16 =	simm.s32 $0x4200;
	s17 =	simm.s32 $0x1;
	v40 =	vor.u32 $0x1011, v0;
	v41 =	vor.u32 $0x1002, v0;
	[tilespmem:$0x1FF60] =	vst v2;
	v2 =	vor.u32 $0x12, v0  }
0xe: {  	s18 =	simm.s32 $0x2;
	s19 =	simm.s32 $0x180;
	s22 =	simm.s32 $0x20;
	v42 =	vor.u32 $0x1012, v0;
	v43 =	vor.u32 $0x1003, v0;
	[tilespmem:$0x1FF70] =	vst v2;
	v2 =	vor.u32 $0x3, v0  }
0xf: {  	s23 =	simm.s32 $0x10;
	s7 =	sand.u32 $0x1, s4;
	s8 =	sshll.u32 s2, $0x1;
	v44 =	vor.u32 $0x1013, v0;
	v45 =	vor.u32 $0x1004, v0;
	[tilespmem:$0x1FF80] =	vst v2;
	v2 =	vor.u32 $0x13, v0  }
0x10: {  	s4 =	simm.s32 $0x0;
	s20 =	sshll.u32 s2, $0x6;
	s30 =	sshll.u32 s2, $0x8;
	v46 =	vor.u32 $0x1014, v0;
	v47 =	vor.u32 $0x1005, v0;
	[tilespmem:$0x1FF90] =	vst v2;
	v2 =	vor.u32 $0x4, v0  }
0x11: {  	s8 =	sor.u32 s7, s8;
	s10 =	ssub.s32 $0x2, s7;
	[smem:$0x7FF] =	sst s4;
	v48 =	vor.u32 $0x1015, v0;
	v49 =	vor.u32 $0x1006, v0;
	[tilespmem:$0x1FFA0] =	vst v2;
	v2 =	vor.u32 $0x14, v0  }
0x12: {  	s31 =	sshll.u32 s7, $0x4;
	s11 =	sshll.u32 s8, $0x4;
	s12 =	sshrl.u32 s10, $0x1;
	v50 =	vor.u32 $0x1016, v0;
	v51 =	vor.u32 $0x1007, v0;
	[tilespmem:$0x1FFB0] =	vst v2;
	v2 =	vor.u32 $0x5, v0  }
0x13: {  	s8 =	sshll.u32 s8, $0x5;
	s9 =	sadd.s32 s9, s31;
	v52 =	vor.u32 $0x1017, v0;
	v53 =	vor.u32 $0x1008, v0;
	s11 =	sadd.s32 s11, s5;
	[tilespmem:$0x1FFC0] =	vst v2;
	v2 =	vor.u32 $0x15, v0  }
0x14: {  	v54 =	vor.u32 $0x1018, v0;
	v55 =	vor.u32 $0x1800, v0;
	s10 =	ssub.s32 s10, s12;
	s5 =	sadd.s32 s30, s1;
	s6 =	sadd.s32 s6, s8;
	[tilespmem:$0x1FFD0] =	vst v2;
	v2 =	vor.u32 $0x6, v0  }
0x15: {  	v56 =	vor.u32 $0x1810, v0;
	v57 =	vor.u32 $0x1801, v0;
	s9 =	sadd.s32 s20, s9;
	s12 =	simm.s32 $0x3;
	s20 =	sor.u32 $0x1C03, s20;
	[tilespmem:$0x1FFE0] =	vst v2;
	v2 =	vor.u32 $0x16, v0  }
0x16: {  	v58 =	vor.u32 $0x1811, v0;
	v59 =	vor.u32 $0x1802, v0;
	v60 =	vor.u32 $0x1812, v0;
	s7 =	sadd.s32 $0x10, s6;
	s8 =	sadd.s32 $0x2600, s11;
	s10 =	smax.u32 s10, $0x1;
	[tilespmem:$0x1FFF0] =	vst v2  }
0x17: {  	v61 =	vor.u32 $0x1803, v0;
	v62 =	vor.u32 $0x1813, v0;
	v63 =	vor.u32 $0x1804, v0;
	s11 =	simm.s32 $0x8200;
	s21 =	sshrl.u32 s5, $0x3;
	_ =	strace $0x80000047  }
.LBB2_1:
0x18: {  	[tilespmem:$0x8200] =	vst v1  }
0x19: {  	[tilespmem:$0x8210] =	vst v1  }
0x1a: {  	[tilespmem:$0x8220] =	vst v1  }
0x1b: {  	[tilespmem:$0x8230] =	vst v1  }
0x1c: {  	[tilespmem:$0x8240] =	vst v1  }
0x1d: {  	[tilespmem:$0x8250] =	vst v1  }
0x1e: {  	[tilespmem:$0x8260] =	vst v1  }
0x1f: {  	[tilespmem:$0x8270] =	vst v1  }
0x20: {  	[tilespmem:$0x8280] =	vst v1  }
0x21: {  	[tilespmem:$0x8290] =	vst v1  }
0x22: {  	[tilespmem:$0x82A0] =	vst v1  }
0x23: {  	[tilespmem:$0x82B0] =	vst v1  }
0x24: {  	[tilespmem:$0x82C0] =	vst v1  }
0x25: {  	[tilespmem:$0x82D0] =	vst v1  }
0x26: {  	[tilespmem:$0x82E0] =	vst v1  }
0x27: {  	[tilespmem:$0x82F0] =	vst v1  }
0x28: {  	[spmem:s5] =	stream.linear.scatter [tilespmem:s11], [sflag:$0x3], $0x100, $0x38;
	[tilespmem:$0x8400] =	vst v63  }
0x29: {  	_ =	swait.ge [sflag:s12], $0x100  }
0x2a: {  	[sflag:s12] =	ssyncset.done $0x0  }
0x2b: {  	[sflag:s12] =	ssyncadd.s32 $0xFFFFFF00  }
0x2c: {  	[tilespmem:s4], [sflag:$0x3] =	stream.linear.gather [hbm4b:s6+s4], $0x80, $0x38;
	[tilespmem:$0x8400] =	vst v63  }
0x2d: {  	_ =	swait.ge [sflag:s12], $0x80  }
0x2e: {  	[sflag:s12] =	ssyncset.done $0x0  }
0x2f: {  	[sflag:s12] =	ssyncadd.s32 $0xFFFFFF80  }
0x30: {  	[tilespmem:s13], [sflag:$0x3] =	stream.linear.gather [hbm4b:s7+s4], $0x80, $0x38;
	[tilespmem:$0x8400] =	vst v63  }
0x31: {  	_ =	swait.ge [sflag:s12], $0x80  }
0x32: {  	[sflag:s12] =	ssyncset.done $0x0  }
0x33: {  	[sflag:s12] =	ssyncadd.s32 $0xFFFFFF80  }
0x34: {  	[tilespmem:s14], [sflag:$0x3] =	stream.linear.gather [hbm4b:s8+s4], $0x80, $0x38;
	[tilespmem:$0x8400] =	vst v63  }
0x35: {  	_ =	swait.ge [sflag:s12], $0x80  }
0x36: {  	[sflag:s12] =	ssyncset.done $0x0  }
0x37: {  	[sflag:s12] =	ssyncadd.s32 $0xFFFFFF80  }
0x38: {  	[tilespmem:s15], [sflag:$0x1] =	stream.indirect.gather [hbm4b:s0+s13], $0x80, s4, s13, $0xb8;
	[tilespmem:$0x8400] =	vst v63  }
0x39: {  	_ = 	snop  }
0x3a: {  	[tilespmem:s16], [sflag:$0x2] =	stream.indirect.gather [hbm4b:s0+s13], $0x80, s13, s13, $0xb8;
	[tilespmem:$0x8400] =	vst v63  }
0x3b: {  	_ =	swait.ge [sflag:s17], $0x4000  }
0x3c: {  	[sflag:s17] =	ssyncset.done $0x0  }
0x3d: {  	[sflag:s17] =	ssyncadd.s32 $0xFFFFC000  }
0x3e: {  	_ =	swait.ge [sflag:s18], $0x4000  }
0x3f: {  	[sflag:s18] =	ssyncset.done $0x0  }
0x40: {  	[sflag:s18] =	ssyncadd.s32 $0xFFFFC000  }
0x41: {  	[bflag:$0x0] =	sbarrier.arrive $0xFFFF  }
0x42: {  	v3 =	vld [tilespmem:$0x1FF30];
	_ =	sdelay $0x6  }
0x43: {  	v2 =	vld.idx.msk [tilespmem:v0+s15+$0x0], $0xffff  }
0x44: {  	v3 =	vld.idx.msk [tilespmem:v3+s16+$0x0], $0xffff;
	_ =	sdelay $0x3  }
0x45: {  	v8 =	vld [tilespmem:$0x1FF90]  }
0x46: {  	v2 =	vmul.f32 v3, v2;
	v3 =	vld [tilespmem:$0x1FF80];
	_ =	sdelay $0x1  }
0x47: {  	v4 =	vld [tilespmem:$0x1FF40]  }
0x48: {  	v5 =	vld [tilespmem:$0x1FF50]  }
0x49: {  	v6 =	vld [tilespmem:$0x1FF60];
	_ =	sdelay $0x1  }
0x4a: {  	v7 =	vld [tilespmem:$0x1FF70]  }
0x4b: {  	v8 =	vld.idx.msk [tilespmem:v8+s16+$0x0], $0xffff  }
0x4c: {  	v3 =	vld.idx.msk [tilespmem:v3+s15+$0x0], $0xffff  }
0x4d: {  	v9 =	vld [tilespmem:$0x1FFA0]  }
0x4e: {  	v4 =	vld.idx.msk [tilespmem:v4+s15+$0x0], $0xffff  }
0x4f: {  	v5 =	vld.idx.msk [tilespmem:v5+s16+$0x0], $0xffff  }
0x50: {  	v6 =	vld.idx.msk [tilespmem:v6+s15+$0x0], $0xffff  }
0x51: {  	v3 =	vmul.f32 v8, v3;
	v8 =	vld [tilespmem:$0x1FFE0]  }
0x52: {  	v7 =	vld.idx.msk [tilespmem:v7+s16+$0x0], $0xffff;
	_ =	sdelay $0x2  }
0x53: {  	v4 =	vmul.f32 v5, v4;
	v5 =	vld.idx.msk [tilespmem:v9+s15+$0x0], $0xffff;
	v2 =	vadd.f32 $0.0e+00, v2  }
0x54: {  	v9 =	vld [tilespmem:$0x1FFB0]  }
0x55: {  	v10 =	vld [tilespmem:$0x1FFC0];
	v2 =	vadd.f32 v4, v2;
	v4 =	vmul.f32 v7, v6  }
0x56: {  	v11 =	vld [tilespmem:$0x1FFD0]  }
0x57: {  	v2 =	vadd.f32 v4, v2;
	v4 =	vld.idx.msk [tilespmem:v8+s15+$0x0], $0xffff  }
0x58: {  	v8 =	vld [tilespmem:$0x1FFF0];
	_ =	sdelay $0x3  }
0x59: {  	v9 =	vld.idx.msk [tilespmem:v9+s16+$0x0], $0xffff  }
0x5a: {  	v6 =	vld.idx.msk [tilespmem:v10+s15+$0x0], $0xffff  }
0x5b: {  	v7 =	vld.idx.msk [tilespmem:v11+s16+$0x0], $0xffff;
	_ =	sdelay $0x1  }
0x5c: {  	v8 =	vld.idx.msk [tilespmem:v8+s16+$0x0], $0xffff  }
0x5d: {  	v2 =	vadd.f32 v3, v2;
	v3 =	vmul.f32 v9, v5;
	v5 =	vld.idx.msk [tilespmem:v15+s15+$0x0], $0xffff  }
0x5e: {  	v9 =	vld.idx.msk [tilespmem:v16+s16+$0x0], $0xffff  }
0x5f: {  	v10 =	vld.idx.msk [tilespmem:v17+s15+$0x0], $0xffff;
	v2 =	vadd.f32 v3, v2;
	v3 =	vmul.f32 v7, v6  }
0x60: {  	v11 =	vld.idx.msk [tilespmem:v18+s16+$0x0], $0xffff  }
0x61: {  	v2 =	vadd.f32 v3, v2;
	v3 =	vmul.f32 v8, v4;
	_ =	sdelay $0x1  }
0x62: {  	v2 =	vadd.f32 v3, v2;
	v3 =	vmul.f32 v9, v5;
	_ =	sdelay $0x1  }
0x63: {  	v2 =	vadd.f32 v3, v2;
	v3 =	vmul.f32 v11, v10  }
0x64: {  	v10 =	vld [tilespmem:$0x100]  }
0x65: {  	v2 =	vadd.f32 v3, v2;
	_ =	sdelay $0x1  }
0x66: {  	v2 =	vmul.f32 $3.608439120e-02, v2;
	_ =	sdelay $0x1  }
0x67: {  	v2 =	vadd.f32 v2, v10;
	_ =	sdelay $0x1  }
0x68: {  	v2 =	vmul.f32 $1.442695020e+00, v2;
	_ =	sdelay $0x1  }
0x69: {  	(erf) = vpow2.f32 v2;
	_ =	sdelay $0x8  }
0x6a: {  	v2 =	vpop (erf)  }
0x6b: {  	[tilespmem:$0x180] =	vst v2  }
0x6c: {  	v2 =	vld.idx.msk [tilespmem:v19+s15+$0x0], $0xffff  }
0x6d: {  	v3 =	vld.idx.msk [tilespmem:v20+s16+$0x0], $0xffff  }
0x6e: {  	v4 =	vld.idx.msk [tilespmem:v21+s15+$0x0], $0xffff  }
0x6f: {  	v5 =	vld.idx.msk [tilespmem:v22+s16+$0x0], $0xffff  }
0x70: {  	v6 =	vld.idx.msk [tilespmem:v23+s15+$0x0], $0xffff  }
0x71: {  	v7 =	vld.idx.msk [tilespmem:v24+s16+$0x0], $0xffff  }
0x72: {  	v8 =	vld.idx.msk [tilespmem:v26+s16+$0x0], $0xffff;
	v2 =	vmul.f32 v3, v2  }
0x73: {  	v3 =	vld.idx.msk [tilespmem:v25+s15+$0x0], $0xffff  }
0x74: {  	v9 =	vld.idx.msk [tilespmem:v28+s16+$0x0], $0xffff;
	v4 =	vmul.f32 v5, v4;
	v2 =	vadd.f32 $0.0e+00, v2  }
0x75: {  	v5 =	vld.idx.msk [tilespmem:v27+s15+$0x0], $0xffff  }
0x76: {  	v11 =	vmul.f32 v7, v6;
	v6 =	vld.idx.msk [tilespmem:v29+s15+$0x0], $0xffff;
	v2 =	vadd.f32 v4, v2  }
0x77: {  	v7 =	vld.idx.msk [tilespmem:v30+s16+$0x0], $0xffff  }
0x78: {  	v4 =	vld.idx.msk [tilespmem:v31+s15+$0x0], $0xffff;
	v3 =	vmul.f32 v8, v3;
	v2 =	vadd.f32 v11, v2  }
0x79: {  	v8 =	vld.idx.msk [tilespmem:v32+s16+$0x0], $0xffff  }
0x7a: {  	v2 =	vadd.f32 v3, v2;
	v3 =	vmul.f32 v9, v5;
	v5 =	vld.idx.msk [tilespmem:v33+s15+$0x0], $0xffff  }
0x7b: {  	v9 =	vld.idx.msk [tilespmem:v34+s16+$0x0], $0xffff  }
0x7c: {  	v10 =	vld.idx.msk [tilespmem:v35+s15+$0x0], $0xffff;
	v2 =	vadd.f32 v3, v2;
	v3 =	vmul.f32 v7, v6  }
0x7d: {  	v11 =	vld.idx.msk [tilespmem:v36+s16+$0x0], $0xffff  }
0x7e: {  	v2 =	vadd.f32 v3, v2;
	v3 =	vmul.f32 v8, v4;
	_ =	sdelay $0x1  }
0x7f: {  	v2 =	vadd.f32 v3, v2;
	v3 =	vmul.f32 v9, v5;
	_ =	sdelay $0x1  }
0x80: {  	v2 =	vadd.f32 v3, v2;
	v3 =	vmul.f32 v11, v10  }
0x81: {  	v10 =	vld [tilespmem:$0x110]  }
0x82: {  	v2 =	vadd.f32 v3, v2;
	_ =	sdelay $0x1  }
0x83: {  	v2 =	vmul.f32 $3.608439120e-02, v2;
	_ =	sdelay $0x1  }
0x84: {  	v2 =	vadd.f32 v2, v10;
	_ =	sdelay $0x1  }
0x85: {  	v2 =	vmul.f32 $1.442695020e+00, v2;
	_ =	sdelay $0x1  }
0x86: {  	(erf) = vpow2.f32 v2;
	_ =	sdelay $0x8  }
0x87: {  	v2 =	vpop (erf)  }
0x88: {  	[tilespmem:$0x190] =	vst v2  }
0x89: {  	v2 =	vld.idx.msk [tilespmem:v37+s15+$0x0], $0xffff  }
0x8a: {  	v3 =	vld.idx.msk [tilespmem:v38+s16+$0x0], $0xffff  }
0x8b: {  	v4 =	vld.idx.msk [tilespmem:v39+s15+$0x0], $0xffff  }
0x8c: {  	v5 =	vld.idx.msk [tilespmem:v40+s16+$0x0], $0xffff  }
0x8d: {  	v6 =	vld.idx.msk [tilespmem:v41+s15+$0x0], $0xffff  }
0x8e: {  	v7 =	vld.idx.msk [tilespmem:v42+s16+$0x0], $0xffff  }
0x8f: {  	v8 =	vld.idx.msk [tilespmem:v44+s16+$0x0], $0xffff;
	v2 =	vmul.f32 v3, v2  }
0x90: {  	v3 =	vld.idx.msk [tilespmem:v43+s15+$0x0], $0xffff  }
0x91: {  	v9 =	vld.idx.msk [tilespmem:v46+s16+$0x0], $0xffff;
	v4 =	vmul.f32 v5, v4;
	v2 =	vadd.f32 $0.0e+00, v2  }
0x92: {  	v5 =	vld.idx.msk [tilespmem:v45+s15+$0x0], $0xffff  }
0x93: {  	v11 =	vmul.f32 v7, v6;
	v6 =	vld.idx.msk [tilespmem:v47+s15+$0x0], $0xffff;
	v2 =	vadd.f32 v4, v2  }
0x94: {  	v7 =	vld.idx.msk [tilespmem:v48+s16+$0x0], $0xffff  }
0x95: {  	v4 =	vld.idx.msk [tilespmem:v49+s15+$0x0], $0xffff;
	v3 =	vmul.f32 v8, v3;
	v2 =	vadd.f32 v11, v2  }
0x96: {  	v8 =	vld.idx.msk [tilespmem:v50+s16+$0x0], $0xffff  }
0x97: {  	v2 =	vadd.f32 v3, v2;
	v3 =	vmul.f32 v9, v5;
	v5 =	vld.idx.msk [tilespmem:v51+s15+$0x0], $0xffff  }
0x98: {  	v9 =	vld.idx.msk [tilespmem:v52+s16+$0x0], $0xffff  }
0x99: {  	v10 =	vld.idx.msk [tilespmem:v53+s15+$0x0], $0xffff;
	v2 =	vadd.f32 v3, v2;
	v3 =	vmul.f32 v7, v6  }
0x9a: {  	v11 =	vld.idx.msk [tilespmem:v54+s16+$0x0], $0xffff  }
0x9b: {  	v2 =	vadd.f32 v3, v2;
	v3 =	vmul.f32 v8, v4;
	_ =	sdelay $0x1  }
0x9c: {  	v2 =	vadd.f32 v3, v2;
	v3 =	vmul.f32 v9, v5;
	_ =	sdelay $0x1  }
0x9d: {  	v2 =	vadd.f32 v3, v2;
	v3 =	vmul.f32 v11, v10  }
0x9e: {  	v9 =	vld [tilespmem:$0x120]  }
0x9f: {  	v2 =	vadd.f32 v3, v2;
	_ =	sdelay $0x1  }
0xa0: {  	v2 =	vmul.f32 $3.608439120e-02, v2;
	_ =	sdelay $0x1  }
0xa1: {  	v2 =	vadd.f32 v2, v9;
	_ =	sdelay $0x1  }
0xa2: {  	v2 =	vmul.f32 $1.442695020e+00, v2;
	_ =	sdelay $0x1  }
0xa3: {  	(erf) = vpow2.f32 v2;
	_ =	sdelay $0x8  }
0xa4: {  	v2 =	vpop (erf)  }
0xa5: {  	[tilespmem:$0x1A0] =	vst v2  }
0xa6: {  	v2 =	vld.idx.msk [tilespmem:v55+s15+$0x0], $0xffff  }
0xa7: {  	v3 =	vld.idx.msk [tilespmem:v56+s16+$0x0], $0xffff  }
0xa8: {  	v4 =	vld.idx.msk [tilespmem:v57+s15+$0x0], $0xffff  }
0xa9: {  	v7 =	vor.u32 $0x1814, v0;
	v5 =	vld.idx.msk [tilespmem:v58+s16+$0x0], $0xffff  }
0xaa: {  	v6 =	vld.idx.msk [tilespmem:v59+s15+$0x0], $0xffff  }
0xab: {  	v9 =	vor.u32 $0x1805, v0;
	v8 =	vld.idx.msk [tilespmem:v60+s16+$0x0], $0xffff  }
0xac: {  	v10 =	vor.u32 $0x1815, v0;
	v11 =	vld.idx.msk [tilespmem:v62+s16+$0x0], $0xffff;
	v2 =	vmul.f32 v3, v2  }
0xad: {  	v12 =	vor.u32 $0x1806, v0;
	v3 =	vld.idx.msk [tilespmem:v61+s15+$0x0], $0xffff  }
0xae: {  	v13 =	vor.u32 $0x1816, v0;
	v7 =	vld.idx.msk [tilespmem:v7+s16+$0x0], $0xffff;
	v4 =	vmul.f32 v5, v4;
	v2 =	vadd.f32 $0.0e+00, v2  }
0xaf: {  	v14 =	vor.u32 $0x1807, v0;
	v5 =	vld.idx.msk [tilespmem:v63+s15+$0x0], $0xffff  }
0xb0: {  	v2 =	vadd.f32 v4, v2;
	v4 =	vmul.f32 v8, v6;
	v6 =	vld.idx.msk [tilespmem:v9+s15+$0x0], $0xffff;
	v8 =	vor.u32 $0x1817, v0  }
0xb1: {  	v9 =	vld.idx.msk [tilespmem:v10+s16+$0x0], $0xffff;
	v10 =	vor.u32 $0x1808, v0  }
0xb2: {  	v3 =	vmul.f32 v11, v3;
	v11 =	vor.u32 $0x1818, v0;
	v2 =	vadd.f32 v4, v2;
	v4 =	vld.idx.msk [tilespmem:v12+s15+$0x0], $0xffff  }
0xb3: {  	v12 =	vld.idx.msk [tilespmem:v13+s16+$0x0], $0xffff  }
0xb4: {  	v2 =	vadd.f32 v3, v2;
	v3 =	vmul.f32 v7, v5;
	v5 =	vld.idx.msk [tilespmem:v14+s15+$0x0], $0xffff  }
0xb5: {  	v7 =	vld.idx.msk [tilespmem:v8+s16+$0x0], $0xffff  }
0xb6: {  	v2 =	vadd.f32 v3, v2;
	v3 =	vmul.f32 v9, v6;
	v6 =	vld.idx.msk [tilespmem:v10+s15+$0x0], $0xffff  }
0xb7: {  	v8 =	vld.idx.msk [tilespmem:v11+s16+$0x0], $0xffff  }
0xb8: {  	v2 =	vadd.f32 v3, v2;
	v3 =	vmul.f32 v12, v4;
	_ =	sdelay $0x1  }
0xb9: {  	v2 =	vadd.f32 v3, v2;
	v3 =	vmul.f32 v7, v5;
	_ =	sdelay $0x1  }
0xba: {  	v2 =	vadd.f32 v3, v2;
	v3 =	vmul.f32 v8, v6  }
0xbb: {  	v10 =	vld [tilespmem:$0x130]  }
0xbc: {  	v2 =	vadd.f32 v3, v2;
	_ =	sdelay $0x1  }
0xbd: {  	v2 =	vmul.f32 $3.608439120e-02, v2;
	_ =	sdelay $0x1  }
0xbe: {  	v2 =	vadd.f32 v2, v10;
	_ =	sdelay $0x1  }
0xbf: {  	v2 =	vmul.f32 $1.442695020e+00, v2;
	_ =	sdelay $0x1  }
0xc0: {  	(erf) = vpow2.f32 v2;
	_ =	sdelay $0x5  }
0xc1: {  	v2 =	vor.u32 $0x2000, v0  }
0xc2: {  	v3 =	vor.u32 $0x2010, v0  }
0xc3: {  	v4 =	vor.u32 $0x2001, v0  }
0xc4: {  	v6 =	vor.u32 $0x2011, v0;
	v11 =	vpop (erf)  }
0xc5: {  	v5 =	vor.u32 $0x2002, v0;
	[tilespmem:$0x1B0] =	vst v11  }
0xc6: {  	v7 =	vor.u32 $0x2012, v0;
	v2 =	vld.idx.msk [tilespmem:v2+s15+$0x0], $0xffff  }
0xc7: {  	v9 =	vor.u32 $0x2013, v0;
	v3 =	vld.idx.msk [tilespmem:v3+s16+$0x0], $0xffff  }
0xc8: {  	v8 =	vor.u32 $0x2003, v0;
	v4 =	vld.idx.msk [tilespmem:v4+s15+$0x0], $0xffff  }
0xc9: {  	v10 =	vor.u32 $0x2004, v0;
	v6 =	vld.idx.msk [tilespmem:v6+s16+$0x0], $0xffff  }
0xca: {  	v5 =	vld.idx.msk [tilespmem:v5+s15+$0x0], $0xffff  }
0xcb: {  	v11 =	vor.u32 $0x2014, v0;
	v7 =	vld.idx.msk [tilespmem:v7+s16+$0x0], $0xffff  }
0xcc: {  	v12 =	vor.u32 $0x2005, v0;
	v9 =	vld.idx.msk [tilespmem:v9+s16+$0x0], $0xffff  }
0xcd: {  	v2 =	vmul.f32 v3, v2;
	v3 =	vld.idx.msk [tilespmem:v8+s15+$0x0], $0xffff;
	v8 =	vor.u32 $0x2015, v0  }
0xce: {  	v4 =	vmul.f32 v6, v4;
	v6 =	vld.idx.msk [tilespmem:v10+s15+$0x0], $0xffff;
	v10 =	vor.u32 $0x2016, v0  }
0xcf: {  	v13 =	vor.u32 $0x2006, v0;
	v2 =	vadd.f32 $0.0e+00, v2  }
0xd0: {  	v14 =	vor.u32 $0x2007, v0;
	v11 =	vld.idx.msk [tilespmem:v11+s16+$0x0], $0xffff  }
0xd1: {  	v2 =	vadd.f32 v4, v2;
	v4 =	vmul.f32 v7, v5;
	v5 =	vld.idx.msk [tilespmem:v12+s15+$0x0], $0xffff;
	v7 =	vor.u32 $0x2017, v0  }
0xd2: {  	v12 =	vor.u32 $0x2008, v0;
	v8 =	vld.idx.msk [tilespmem:v8+s16+$0x0], $0xffff  }
0xd3: {  	v3 =	vmul.f32 v9, v3;
	v9 =	vor.u32 $0x2018, v0;
	v10 =	vld.idx.msk [tilespmem:v10+s16+$0x0], $0xffff;
	v2 =	vadd.f32 v4, v2  }
0xd4: {  	v4 =	vld.idx.msk [tilespmem:v13+s15+$0x0], $0xffff  }
0xd5: {  	v2 =	vadd.f32 v3, v2;
	v3 =	vmul.f32 v11, v6;
	v6 =	vld.idx.msk [tilespmem:v14+s15+$0x0], $0xffff  }
0xd6: {  	v7 =	vld.idx.msk [tilespmem:v7+s16+$0x0], $0xffff  }
0xd7: {  	v2 =	vadd.f32 v3, v2;
	v3 =	vmul.f32 v8, v5;
	v5 =	vld.idx.msk [tilespmem:v12+s15+$0x0], $0xffff  }
0xd8: {  	v8 =	vld.idx.msk [tilespmem:v9+s16+$0x0], $0xffff  }
0xd9: {  	v2 =	vadd.f32 v3, v2;
	v3 =	vmul.f32 v10, v4;
	_ =	sdelay $0x1  }
0xda: {  	v2 =	vadd.f32 v3, v2;
	v3 =	vmul.f32 v7, v6;
	_ =	sdelay $0x1  }
0xdb: {  	v2 =	vadd.f32 v3, v2;
	v3 =	vmul.f32 v8, v5  }
0xdc: {  	v8 =	vld [tilespmem:$0x140]  }
0xdd: {  	v2 =	vadd.f32 v3, v2;
	_ =	sdelay $0x1  }
0xde: {  	v2 =	vmul.f32 $3.608439120e-02, v2;
	_ =	sdelay $0x1  }
0xdf: {  	v2 =	vadd.f32 v2, v8;
	_ =	sdelay $0x1  }
0xe0: {  	v2 =	vmul.f32 $1.442695020e+00, v2;
	_ =	sdelay $0x1  }
0xe1: {  	(erf) = vpow2.f32 v2;
	_ =	sdelay $0x5  }
0xe2: {  	v2 =	vor.u32 $0x2800, v0  }
0xe3: {  	v3 =	vor.u32 $0x2810, v0  }
0xe4: {  	v4 =	vor.u32 $0x2801, v0  }
0xe5: {  	v6 =	vor.u32 $0x2811, v0;
	v9 =	vpop (erf)  }
0xe6: {  	v5 =	vor.u32 $0x2802, v0;
	[tilespmem:$0x1C0] =	vst v9  }
0xe7: {  	v7 =	vor.u32 $0x2812, v0;
	v2 =	vld.idx.msk [tilespmem:v2+s15+$0x0], $0xffff  }
0xe8: {  	v9 =	vor.u32 $0x2813, v0;
	v3 =	vld.idx.msk [tilespmem:v3+s16+$0x0], $0xffff  }
0xe9: {  	v8 =	vor.u32 $0x2803, v0;
	v4 =	vld.idx.msk [tilespmem:v4+s15+$0x0], $0xffff  }
0xea: {  	v10 =	vor.u32 $0x2804, v0;
	v6 =	vld.idx.msk [tilespmem:v6+s16+$0x0], $0xffff  }
0xeb: {  	v5 =	vld.idx.msk [tilespmem:v5+s15+$0x0], $0xffff  }
0xec: {  	v11 =	vor.u32 $0x2814, v0;
	v7 =	vld.idx.msk [tilespmem:v7+s16+$0x0], $0xffff  }
0xed: {  	v12 =	vor.u32 $0x2805, v0;
	v9 =	vld.idx.msk [tilespmem:v9+s16+$0x0], $0xffff  }
0xee: {  	v2 =	vmul.f32 v3, v2;
	v3 =	vld.idx.msk [tilespmem:v8+s15+$0x0], $0xffff;
	v8 =	vor.u32 $0x2815, v0  }
0xef: {  	v4 =	vmul.f32 v6, v4;
	v6 =	vld.idx.msk [tilespmem:v10+s15+$0x0], $0xffff;
	v10 =	vor.u32 $0x2816, v0  }
0xf0: {  	v13 =	vor.u32 $0x2806, v0;
	v2 =	vadd.f32 $0.0e+00, v2  }
0xf1: {  	v14 =	vor.u32 $0x2807, v0;
	v11 =	vld.idx.msk [tilespmem:v11+s16+$0x0], $0xffff  }
0xf2: {  	v2 =	vadd.f32 v4, v2;
	v4 =	vmul.f32 v7, v5;
	v5 =	vld.idx.msk [tilespmem:v12+s15+$0x0], $0xffff;
	v7 =	vor.u32 $0x2817, v0  }
0xf3: {  	v12 =	vor.u32 $0x2808, v0;
	v8 =	vld.idx.msk [tilespmem:v8+s16+$0x0], $0xffff  }
0xf4: {  	v3 =	vmul.f32 v9, v3;
	v9 =	vor.u32 $0x2818, v0;
	v10 =	vld.idx.msk [tilespmem:v10+s16+$0x0], $0xffff;
	v2 =	vadd.f32 v4, v2  }
0xf5: {  	v4 =	vld.idx.msk [tilespmem:v13+s15+$0x0], $0xffff  }
0xf6: {  	v2 =	vadd.f32 v3, v2;
	v3 =	vmul.f32 v11, v6;
	v6 =	vld.idx.msk [tilespmem:v14+s15+$0x0], $0xffff  }
0xf7: {  	v7 =	vld.idx.msk [tilespmem:v7+s16+$0x0], $0xffff  }
0xf8: {  	v2 =	vadd.f32 v3, v2;
	v3 =	vmul.f32 v8, v5;
	v5 =	vld.idx.msk [tilespmem:v12+s15+$0x0], $0xffff  }
0xf9: {  	v8 =	vld.idx.msk [tilespmem:v9+s16+$0x0], $0xffff  }
0xfa: {  	v2 =	vadd.f32 v3, v2;
	v3 =	vmul.f32 v10, v4;
	_ =	sdelay $0x1  }
0xfb: {  	v2 =	vadd.f32 v3, v2;
	v3 =	vmul.f32 v7, v6;
	_ =	sdelay $0x1  }
0xfc: {  	v2 =	vadd.f32 v3, v2;
	v3 =	vmul.f32 v8, v5  }
0xfd: {  	v10 =	vld [tilespmem:$0x150]  }
0xfe: {  	v2 =	vadd.f32 v3, v2;
	_ =	sdelay $0x1  }
0xff: {  	v2 =	vmul.f32 $3.608439120e-02, v2;
	_ =	sdelay $0x1  }
0x100: {  	v2 =	vadd.f32 v2, v10;
	_ =	sdelay $0x1  }
0x101: {  	v2 =	vmul.f32 $1.442695020e+00, v2;
	_ =	sdelay $0x1  }
0x102: {  	(erf) = vpow2.f32 v2;
	_ =	sdelay $0x5  }
0x103: {  	v2 =	vor.u32 $0x3000, v0  }
0x104: {  	v3 =	vor.u32 $0x3010, v0  }
0x105: {  	v4 =	vor.u32 $0x3001, v0  }
0x106: {  	v6 =	vor.u32 $0x3011, v0;
	v11 =	vpop (erf)  }
0x107: {  	v5 =	vor.u32 $0x3002, v0;
	[tilespmem:$0x1D0] =	vst v11  }
0x108: {  	v7 =	vor.u32 $0x3012, v0;
	v2 =	vld.idx.msk [tilespmem:v2+s15+$0x0], $0xffff  }
0x109: {  	v9 =	vor.u32 $0x3013, v0;
	v3 =	vld.idx.msk [tilespmem:v3+s16+$0x0], $0xffff  }
0x10a: {  	v8 =	vor.u32 $0x3003, v0;
	v4 =	vld.idx.msk [tilespmem:v4+s15+$0x0], $0xffff  }
0x10b: {  	v10 =	vor.u32 $0x3004, v0;
	v6 =	vld.idx.msk [tilespmem:v6+s16+$0x0], $0xffff  }
0x10c: {  	v5 =	vld.idx.msk [tilespmem:v5+s15+$0x0], $0xffff  }
0x10d: {  	v11 =	vor.u32 $0x3014, v0;
	v7 =	vld.idx.msk [tilespmem:v7+s16+$0x0], $0xffff  }
0x10e: {  	v12 =	vor.u32 $0x3005, v0;
	v9 =	vld.idx.msk [tilespmem:v9+s16+$0x0], $0xffff  }
0x10f: {  	v2 =	vmul.f32 v3, v2;
	v3 =	vld.idx.msk [tilespmem:v8+s15+$0x0], $0xffff;
	v8 =	vor.u32 $0x3015, v0  }
0x110: {  	v4 =	vmul.f32 v6, v4;
	v6 =	vld.idx.msk [tilespmem:v10+s15+$0x0], $0xffff;
	v10 =	vor.u32 $0x3016, v0  }
0x111: {  	v13 =	vor.u32 $0x3006, v0;
	v2 =	vadd.f32 $0.0e+00, v2  }
0x112: {  	v14 =	vor.u32 $0x3007, v0;
	v11 =	vld.idx.msk [tilespmem:v11+s16+$0x0], $0xffff  }
0x113: {  	v2 =	vadd.f32 v4, v2;
	v4 =	vmul.f32 v7, v5;
	v5 =	vld.idx.msk [tilespmem:v12+s15+$0x0], $0xffff;
	v7 =	vor.u32 $0x3017, v0  }
0x114: {  	v12 =	vor.u32 $0x3008, v0;
	v8 =	vld.idx.msk [tilespmem:v8+s16+$0x0], $0xffff  }
0x115: {  	v3 =	vmul.f32 v9, v3;
	v9 =	vor.u32 $0x3018, v0;
	v10 =	vld.idx.msk [tilespmem:v10+s16+$0x0], $0xffff;
	v2 =	vadd.f32 v4, v2  }
0x116: {  	v4 =	vld.idx.msk [tilespmem:v13+s15+$0x0], $0xffff  }
0x117: {  	v2 =	vadd.f32 v3, v2;
	v3 =	vmul.f32 v11, v6;
	v6 =	vld.idx.msk [tilespmem:v14+s15+$0x0], $0xffff  }
0x118: {  	v7 =	vld.idx.msk [tilespmem:v7+s16+$0x0], $0xffff  }
0x119: {  	v2 =	vadd.f32 v3, v2;
	v3 =	vmul.f32 v8, v5;
	v5 =	vld.idx.msk [tilespmem:v12+s15+$0x0], $0xffff  }
0x11a: {  	v8 =	vld.idx.msk [tilespmem:v9+s16+$0x0], $0xffff  }
0x11b: {  	v2 =	vadd.f32 v3, v2;
	v3 =	vmul.f32 v10, v4;
	_ =	sdelay $0x1  }
0x11c: {  	v2 =	vadd.f32 v3, v2;
	v3 =	vmul.f32 v7, v6;
	_ =	sdelay $0x1  }
0x11d: {  	v2 =	vadd.f32 v3, v2;
	v3 =	vmul.f32 v8, v5  }
0x11e: {  	v9 =	vld [tilespmem:$0x160]  }
0x11f: {  	v2 =	vadd.f32 v3, v2;
	_ =	sdelay $0x1  }
0x120: {  	v2 =	vmul.f32 $3.608439120e-02, v2;
	_ =	sdelay $0x1  }
0x121: {  	v2 =	vadd.f32 v2, v9;
	_ =	sdelay $0x1  }
0x122: {  	v2 =	vmul.f32 $1.442695020e+00, v2;
	_ =	sdelay $0x1  }
0x123: {  	(erf) = vpow2.f32 v2;
	_ =	sdelay $0x5  }
0x124: {  	v2 =	vor.u32 $0x3800, v0  }
0x125: {  	v3 =	vor.u32 $0x3810, v0  }
0x126: {  	v4 =	vor.u32 $0x3801, v0  }
0x127: {  	v6 =	vor.u32 $0x3811, v0;
	v10 =	vpop (erf)  }
0x128: {  	v5 =	vor.u32 $0x3802, v0;
	[tilespmem:$0x1E0] =	vst v10  }
0x129: {  	v7 =	vor.u32 $0x3812, v0;
	v2 =	vld.idx.msk [tilespmem:v2+s15+$0x0], $0xffff  }
0x12a: {  	v9 =	vor.u32 $0x3813, v0;
	v3 =	vld.idx.msk [tilespmem:v3+s16+$0x0], $0xffff  }
0x12b: {  	v8 =	vor.u32 $0x3803, v0;
	v4 =	vld.idx.msk [tilespmem:v4+s15+$0x0], $0xffff  }
0x12c: {  	v10 =	vor.u32 $0x3804, v0;
	v6 =	vld.idx.msk [tilespmem:v6+s16+$0x0], $0xffff  }
0x12d: {  	v5 =	vld.idx.msk [tilespmem:v5+s15+$0x0], $0xffff  }
0x12e: {  	v11 =	vor.u32 $0x3814, v0;
	v7 =	vld.idx.msk [tilespmem:v7+s16+$0x0], $0xffff  }
0x12f: {  	v12 =	vor.u32 $0x3805, v0;
	v9 =	vld.idx.msk [tilespmem:v9+s16+$0x0], $0xffff  }
0x130: {  	v2 =	vmul.f32 v3, v2;
	v3 =	vld.idx.msk [tilespmem:v8+s15+$0x0], $0xffff;
	v8 =	vor.u32 $0x3815, v0  }
0x131: {  	v4 =	vmul.f32 v6, v4;
	v6 =	vld.idx.msk [tilespmem:v10+s15+$0x0], $0xffff;
	v10 =	vor.u32 $0x3816, v0  }
0x132: {  	v13 =	vor.u32 $0x3806, v0;
	v2 =	vadd.f32 $0.0e+00, v2  }
0x133: {  	v14 =	vor.u32 $0x3807, v0;
	v11 =	vld.idx.msk [tilespmem:v11+s16+$0x0], $0xffff  }
0x134: {  	v2 =	vadd.f32 v4, v2;
	v4 =	vmul.f32 v7, v5;
	v5 =	vld.idx.msk [tilespmem:v12+s15+$0x0], $0xffff;
	v7 =	vor.u32 $0x3817, v0  }
0x135: {  	v12 =	vor.u32 $0x3808, v0;
	v8 =	vld.idx.msk [tilespmem:v8+s16+$0x0], $0xffff  }
0x136: {  	v3 =	vmul.f32 v9, v3;
	v9 =	vor.u32 $0x3818, v0;
	v10 =	vld.idx.msk [tilespmem:v10+s16+$0x0], $0xffff;
	v2 =	vadd.f32 v4, v2  }
0x137: {  	v4 =	vld.idx.msk [tilespmem:v13+s15+$0x0], $0xffff  }
0x138: {  	v2 =	vadd.f32 v3, v2;
	v3 =	vmul.f32 v11, v6;
	v6 =	vld.idx.msk [tilespmem:v14+s15+$0x0], $0xffff  }
0x139: {  	v7 =	vld.idx.msk [tilespmem:v7+s16+$0x0], $0xffff  }
0x13a: {  	v2 =	vadd.f32 v3, v2;
	v3 =	vmul.f32 v8, v5;
	v5 =	vld.idx.msk [tilespmem:v12+s15+$0x0], $0xffff  }
0x13b: {  	v8 =	vld.idx.msk [tilespmem:v9+s16+$0x0], $0xffff  }
0x13c: {  	v2 =	vadd.f32 v3, v2;
	v3 =	vmul.f32 v10, v4;
	_ =	sdelay $0x1  }
0x13d: {  	v2 =	vadd.f32 v3, v2;
	v3 =	vmul.f32 v7, v6;
	_ =	sdelay $0x1  }
0x13e: {  	v2 =	vadd.f32 v3, v2;
	v3 =	vmul.f32 v8, v5  }
0x13f: {  	v11 =	vld [tilespmem:$0x170]  }
0x140: {  	v2 =	vadd.f32 v3, v2;
	_ =	sdelay $0x1  }
0x141: {  	v2 =	vmul.f32 $3.608439120e-02, v2;
	_ =	sdelay $0x1  }
0x142: {  	v2 =	vadd.f32 v2, v11;
	_ =	sdelay $0x1  }
0x143: {  	v2 =	vmul.f32 $1.442695020e+00, v2;
	_ =	sdelay $0x1  }
0x144: {  	(erf) = vpow2.f32 v2;
	_ =	sdelay $0x8  }
0x145: {  	v2 =	vpop (erf)  }
0x146: {  	[tilespmem:$0x1F0] =	vst v2  }
0x147: {  	[spmem:s1] =	stream.indirect.scatter.add.f32 [tilespmem:s19], [sflag:$0x3], $0x1, s13, s13, $0xb8;
	[tilespmem:$0x8400] =	vst v63  }
0x148: {  	_ =	swait.ge [sflag:s12], $0x80  }
0x149: {  	[sflag:s12] =	ssyncset.done $0x0  }
0x14a: {  	p0 =	sne.s32 s10, $0x1;
	[sflag:s12] =	ssyncadd.s32 $0xFFFFFF80  }
.Ltmp0:
0x14b: {  	[bflag:$0x0] =	sbarrier.arrive $0xFFFF;
	(pc) =	sbr.rel @p0 .LBB2_1-.Ltmp0, $4  }
0x14c: {  	[hbm:s9@s22], [sflag:s20] =	dma.strided [spmem:s21@s23], $0x20, s17, $0x10   }
0x14d: {  	_ =	swait.ge [sflag:s12], $0x20  }
0x14e: {  	[sflag:s12] =	ssyncset.done $0x0  }
0x14f: {  	s10 =	sadd.s32 $0xFFFFFFFF, s10;
	[sflag:s12] =	ssyncadd.s32 $0xFFFFFFE0  }
0x150: {  	_ =	sfence.sel $0x180000  }
0x151: {  	[bflag:$0x0] =	sbarrier.arrive $0xFFFF  }
0x152: {  	p0 =	sne.s32 s2, $0x0;
	_ =	strace $0x90000047  }
0x153: {  	s0 =	sadd.s32 @!p0 $0x100000, s3;
	[bflag:$0x2] =	sbarrier.arrive $0xFFFF  }
0x154: {  	[sflag:s0] =	ssyncadd.tile.s32 @!p0 $0x1;
	_ =	shalt  }
.Lfunc_end2:
_tile_overlayer_lowered:
.L_overlay_start_2:
0x155: {  	(tag) =	ssettag $0x2  }
0x156: {  	s0 =	rddreg [dreg:$0x0];
	s2 =	stileid.u32  }
0x157: {  	s1 =	rddreg [dreg:$0x1];
	p0 =	sne.s32 s2, $0x0  }
0x158: {  	s3 =	rddreg [dreg:$0x2];
	[bflag:$0x3] =	sbarrier.arrive $0xFFFF;
	s2 =	simm.s32 @!p0 $0x1C03  }
0x159: {  	[timem:s3], [sflag:s2] =	dma.local @!p0 [hbm:s0], s1  }
0x15a: {  	s0 =	simm.s32 @!p0 $0x3  }
0x15b: {  	_ =	swait.ge @!p0 [sflag:s0], s1  }
0x15c: {  	s1 =	ssub.s32 @!p0 $0x0, s1;
	[sflag:s0] =	ssyncset.done @!p0 $0x0  }
0x15d: {  	[sflag:s0] =	ssyncadd.s32 @!p0 s1  }
0x15e: {  	[bflag:$0x3] =	sbarrier.arrive $0xFFFF  }
0x15f: {  	_ =	shalt  }

</sc_bundles>
